<compile_context>
chip_gen: v7x
topology: tpu7x:2x2x1
jax: 0.10.2.dev20260603
libtpu: 0.0.44.dev20260713+nightly
codegen_flags: <defaults>
</compile_context>

<pallas_src>
import functools

import jax
import jax.numpy as jnp
from jax import lax
from jax.experimental import pallas as pl
from jax.experimental.pallas import tpu as pltpu
from jax.experimental.pallas import tpu_sc as plsc



def _sem_body(sem_ref, w_ref, b_ref, out_ref):
    x = sem_ref[0]
    c, yb, ws = x.shape
    x2 = x.reshape(c, yb * ws)
    o = lax.dot_general(x2, w_ref[...], (((0,), (1,)), ((), ())),
                        preferred_element_type=jnp.float32)
    out_ref[...] = jnp.maximum(o + b_ref[...], 0.0)


def _sem_transform(semantic_feat, W_sem, b_sem):
    B, C, Hs, Ws = semantic_feat.shape
    YB = 32
    nyb = Hs // YB
    out = pl.pallas_call(
        _sem_body,
        grid=(B, nyb),
        in_specs=[
            pl.BlockSpec((1, C, YB, Ws), lambda b, y: (b, 0, y, 0)),
            pl.BlockSpec((C, C), lambda b, y: (0, 0)),
            pl.BlockSpec((1, C), lambda b, y: (0, 0)),
        ],
        out_specs=pl.BlockSpec((YB * Ws, C), lambda b, y: (b * nyb + y, 0)),
        out_shape=jax.ShapeDtypeStruct((B * Hs * Ws, C), jnp.float32),
    )(semantic_feat, W_sem, b_sem.reshape(1, C))
    return out



def _sc_gather(semt, i00, i01, i10, i11):
    info = plsc.get_sparse_core_info()
    NW = info.num_cores * info.num_subcores
    NC = info.num_cores
    NPTS, D = semt.shape[0], semt.shape[1]
    npts = i00.shape[0]
    bpw = npts // NW
    CH = 112
    nch = bpw // CH
    mesh = plsc.VectorSubcoreMesh(core_axis_name="c", subcore_axis_name="s")

    def body(semt_hbm, i00_hbm, i01_hbm, i10_hbm, i11_hbm,
             o00_hbm, o01_hbm, o10_hbm, o11_hbm, idx_v, rows_v, sem):
        wid = lax.axis_index("s") * NC + lax.axis_index("c")
        base = wid * bpw
        idx_refs = (i00_hbm, i01_hbm, i10_hbm, i11_hbm)
        out_refs = (o00_hbm, o01_hbm, o10_hbm, o11_hbm)

        @pl.loop(0, nch)
        def _chunk(j):
            off = base + j * CH
            for ih, oh in zip(idx_refs, out_refs):
                pltpu.sync_copy(ih.at[pl.ds(off, CH)], idx_v)
                pltpu.async_copy(semt_hbm.at[idx_v], rows_v, sem).wait()
                pltpu.sync_copy(rows_v, oh.at[pl.ds(off, CH)])

    ot = jax.ShapeDtypeStruct((npts, D), jnp.float32)
    k = pl.kernel(
        body,
        out_type=(ot, ot, ot, ot),
        mesh=mesh,
        scratch_types=[
            pltpu.VMEM((CH,), jnp.int32),
            pltpu.VMEM((CH, D), jnp.float32),
            pltpu.SemaphoreType.DMA,
        ],
    )
    return k(semt, i00, i01, i10, i11)



def _roi_body(af_ref, g00_ref, g01_ref, g10_ref, g11_ref, w2_ref, oh_ref,
              wi_ref, bi_ref, wd_ref, bd_ref,
              wf0_ref, bf0_ref, wf1_ref, bf1_ref, wf2_ref, bf2_ref,
              wl_ref, bl_ref, wu_ref, bu_ref, u2_ref,
              out_ref, ip_ref, dp_ref):
    Af = af_ref[0]
    inst = jnp.dot(wi_ref[...], Af, preferred_element_type=jnp.float32) + bi_ref[...]
    det = jnp.dot(wd_ref[...], Af, preferred_element_type=jnp.float32) + bd_ref[...]
    ohv = oh_ref[0]
    ip_ref[...] = jnp.dot(ohv, inst, preferred_element_type=jnp.float32)[None]
    dp_ref[...] = jnp.dot(ohv, det, preferred_element_type=jnp.float32)[None]

    wdet_vec = lax.dot_general(wd_ref[...], ohv, (((0,), (1,)), ((), ())),
                               preferred_element_type=jnp.float32)
    dp_col = lax.dot_general(Af, wdet_vec, (((0,), (0,)), ((), ())),
                             preferred_element_type=jnp.float32)
    icol = lax.broadcasted_iota(jnp.int32, (196, 196), 0)
    irow = lax.broadcasted_iota(jnp.int32, (196, 196), 1)
    ident = (icol == irow).astype(jnp.float32)
    dp_row = lax.dot_general(wdet_vec, Af, (((0,), (0,)), ((), ())),
                             preferred_element_type=jnp.float32)
    beats = (dp_col > dp_row) | ((dp_col == dp_row) & (icol < irow))
    rank = jnp.sum(beats.astype(jnp.float32), axis=0, keepdims=True)
    sel = rank < 128.0

    w2 = w2_ref[0]
    fine_pm = (g00_ref[0] * w2[:, 0:1] + g01_ref[0] * w2[:, 1:2]
               + g10_ref[0] * w2[:, 2:3] + g11_ref[0] * w2[:, 3:4])
    fine = lax.dot_general(fine_pm, ident, (((0,), (0,)), ((), ())),
                           preferred_element_type=jnp.float32)

    h = fine
    for wf, bf in ((wf0_ref, bf0_ref), (wf1_ref, bf1_ref), (wf2_ref, bf2_ref)):
        h = jnp.maximum(
            jnp.dot(wf[:, 0:256], h, preferred_element_type=jnp.float32)
            + jnp.dot(wf[:, 256:336], inst, preferred_element_type=jnp.float32)
            + jnp.dot(wf[:, 336:416], det, preferred_element_type=jnp.float32)
            + bf[...], 0.0)
    logits = (jnp.dot(wl_ref[:, 0:256], h, preferred_element_type=jnp.float32)
              + jnp.dot(wl_ref[:, 256:336], inst, preferred_element_type=jnp.float32)
              + jnp.dot(wl_ref[:, 336:416], det, preferred_element_type=jnp.float32)
              + bl_ref[...])

    refined = jnp.where(sel, logits, Af)
    fused = jnp.maximum(jnp.dot(wu_ref[...], refined,
                                preferred_element_type=jnp.float32) + bu_ref[...], 0.0)
    up = lax.dot_general(fused, u2_ref[...], (((1,), (1,)), ((), ())),
                         preferred_element_type=jnp.float32)
    out_ref[...] = jnp.maximum(up, 0.0)[None]


def _roi_stage(Af3, g00, g01, g10, g11, w2p, ohr,
               W_inst, b_inst, W_det, b_det,
               W_fc0, b_fc0, W_fc1, b_fc1, W_fc2, b_fc2,
               W_logits, b_logits, W_fuse, b_fuse, U2):
    N = Af3.shape[0]
    C = 256
    K = 80
    HW = 196

    def cm(shape):
        return pl.BlockSpec(shape, lambda n: tuple(0 for _ in shape))

    out = pl.pallas_call(
        _roi_body,
        grid=(N,),
        in_specs=[
            pl.BlockSpec((1, C, HW), lambda n: (n, 0, 0)),
            pl.BlockSpec((1, HW, C), lambda n: (n, 0, 0)),
            pl.BlockSpec((1, HW, C), lambda n: (n, 0, 0)),
            pl.BlockSpec((1, HW, C), lambda n: (n, 0, 0)),
            pl.BlockSpec((1, HW, C), lambda n: (n, 0, 0)),
            pl.BlockSpec((1, HW, 8), lambda n: (n, 0, 0)),
            pl.BlockSpec((1, 1, K), lambda n: (n, 0, 0)),
            cm((K, C)), cm((K, 1)),
            cm((K, C)), cm((K, 1)),
            cm((C, 416)), cm((C, 1)),
            cm((C, 416)), cm((C, 1)),
            cm((C, 416)), cm((C, 1)),
            cm((C, 416)), cm((C, 1)),
            cm((C, C)), cm((C, 1)),
            cm((784, HW)),
        ],
        out_specs=[
            pl.BlockSpec((1, C, 784), lambda n: (n, 0, 0)),
            pl.BlockSpec((1, 1, HW), lambda n: (n, 0, 0)),
            pl.BlockSpec((1, 1, HW), lambda n: (n, 0, 0)),
        ],
        out_shape=[
            jax.ShapeDtypeStruct((N, C, 784), jnp.float32),
            jax.ShapeDtypeStruct((N, 1, HW), jnp.float32),
            jax.ShapeDtypeStruct((N, 1, HW), jnp.float32),
        ],
    )(Af3, g00, g01, g10, g11, w2p, ohr,
      W_inst, b_inst.reshape(K, 1), W_det, b_det.reshape(K, 1),
      W_fc0, b_fc0.reshape(C, 1), W_fc1, b_fc1.reshape(C, 1),
      W_fc2, b_fc2.reshape(C, 1), W_logits, b_logits.reshape(C, 1),
      W_fuse, b_fuse.reshape(C, 1), U2)
    return out



def kernel(instance_feats, semantic_feat, rois, roi_labels, num_points,
           W_sem, b_sem, W_inst, b_inst, W_det, b_det,
           W_fc0, b_fc0, W_fc1, b_fc1, W_fc2, b_fc2,
           W_logits, b_logits, W_fuse, b_fuse):
    N, C, H, W = instance_feats.shape
    K = W_inst.shape[0]
    HW = H * W
    B, _, Hs, Ws = semantic_feat.shape

    binds = rois[:, 0].astype(jnp.int32)
    x1, y1, x2, y2 = rois[:, 1], rois[:, 2], rois[:, 3], rois[:, 4]
    fx = (jnp.arange(W, dtype=jnp.float32) + 0.5) / W
    fy = (jnp.arange(H, dtype=jnp.float32) + 0.5) / H
    px = (x1[:, None] + fx[None, :] * (x2 - x1)[:, None]) * 0.25 - 0.5
    py = (y1[:, None] + fy[None, :] * (y2 - y1)[:, None]) * 0.25 - 0.5
    x0 = jnp.floor(px)
    y0 = jnp.floor(py)
    wx1 = px - x0
    wy1 = py - y0
    x0c = jnp.clip(x0, 0, Ws - 1).astype(jnp.int32)
    x1c = jnp.clip(x0 + 1.0, 0, Ws - 1).astype(jnp.int32)
    y0c = jnp.clip(y0, 0, Hs - 1).astype(jnp.int32)
    y1c = jnp.clip(y0 + 1.0, 0, Hs - 1).astype(jnp.int32)

    def ptsx(a):
        return jnp.broadcast_to(a[:, None, :], (N, H, W)).reshape(N, HW)

    def ptsy(a):
        return jnp.broadcast_to(a[:, :, None], (N, H, W)).reshape(N, HW)

    brow = (binds * (Hs * Ws))[:, None]
    i00 = (brow + ptsy(y0c) * Ws + ptsx(x0c)).reshape(-1)
    i01 = (brow + ptsy(y0c) * Ws + ptsx(x1c)).reshape(-1)
    i10 = (brow + ptsy(y1c) * Ws + ptsx(x0c)).reshape(-1)
    i11 = (brow + ptsy(y1c) * Ws + ptsx(x1c)).reshape(-1)
    wy0e, wy1e = ptsy(1.0 - wy1), ptsy(wy1)
    wx0e, wx1e = ptsx(1.0 - wx1), ptsx(wx1)
    w2 = jnp.stack([wy0e * wx0e, wy0e * wx1e, wy1e * wx0e, wy1e * wx1e], axis=-1)
    w2p = jnp.pad(w2, ((0, 0), (0, 0), (0, 4)))
    ohr = jax.nn.one_hot(roi_labels, K, dtype=jnp.float32).reshape(N, 1, K)

    U = jax.image.resize(jnp.eye(H, dtype=jnp.float32), (2 * H, H), method='bilinear')
    U2 = jnp.kron(U, U)

    semt = _sem_transform(semantic_feat, W_sem, b_sem)
    g00, g01, g10, g11 = _sc_gather(semt, i00, i01, i10, i11)
    g00 = g00.reshape(N, HW, C)
    g01 = g01.reshape(N, HW, C)
    g10 = g10.reshape(N, HW, C)
    g11 = g11.reshape(N, HW, C)

    Af3 = instance_feats.reshape(N, C, HW)
    up, ip, dp = _roi_stage(Af3, g00, g01, g10, g11, w2p, ohr,
                            W_inst, b_inst, W_det, b_det,
                            W_fc0, b_fc0, W_fc1, b_fc1, W_fc2, b_fc2,
                            W_logits, b_logits, W_fuse, b_fuse, U2)

    inst_preds = ip.reshape(N, 1, H, W)
    det_preds = dp.reshape(N, 1, H, W)
    refined = up.reshape(N, C, 2 * H, 2 * W)
    return (inst_preds, det_preds, refined)

# --- scband reference (transcript-rebuilt; emitter-appended) ---
"""Pipeline reference for scband-sfmstage-10977936408911 (READ-ONLY COPY).

The authoritative reference and input builder live on the scoring server;
editing this copy changes nothing except your own understanding.
"""

import jax, jax.numpy as jnp
import numpy as np


def _point_sample(sem, binds, gx, gy):
    # sem: [B, C, Hs, Ws]; binds: [N] int; gx, gy: [N, P] normalized coords in [0, 1]
    # bilinear sampling, align_corners=False, border-clamped (boxes lie within image)
    B, C, Hs, Ws = sem.shape
    px = gx * Ws - 0.5
    py = gy * Hs - 0.5
    x0 = jnp.floor(px)
    y0 = jnp.floor(py)
    wx1 = px - x0
    wy1 = py - y0
    wx0 = 1.0 - wx1
    wy0 = 1.0 - wy1
    x0c = jnp.clip(x0, 0, Ws - 1).astype(jnp.int32)
    x1c = jnp.clip(x0 + 1.0, 0, Ws - 1).astype(jnp.int32)
    y0c = jnp.clip(y0, 0, Hs - 1).astype(jnp.int32)
    y1c = jnp.clip(y0 + 1.0, 0, Hs - 1).astype(jnp.int32)
    flat = sem.reshape(B, C, Hs * Ws)
    bi = binds[:, None, None]
    ci = jnp.arange(C)[None, :, None]
    def g(yi, xi):
        return flat[bi, ci, (yi * Ws + xi)[:, None, :]]
    return (g(y0c, x0c) * (wy0 * wx0)[:, None, :]
            + g(y0c, x1c) * (wy0 * wx1)[:, None, :]
            + g(y1c, x0c) * (wy1 * wx0)[:, None, :]
            + g(y1c, x1c) * (wy1 * wx1)[:, None, :])


def setup_inputs(seed: int = 0):
    key = jax.random.key(seed)
    ks = jax.random.split(key, 20)
    N, C, H, W = 512, 256, 14, 14
    K = 80
    fc_in = C + 2 * K  # 416
    inp = {}
    inp['instance_feats'] = jax.random.normal(ks[0], (N, C, H, W), dtype=jnp.float32)
    inp['semantic_feat'] = jax.random.normal(ks[1], (2, 256, 128, 128), dtype=jnp.float32)
    binds = jnp.sort(jax.random.randint(ks[2], (N,), 0, 2)).astype(jnp.float32)
    cx = jax.random.uniform(ks[3], (N,), minval=40.0, maxval=472.0)
    cy = jax.random.uniform(ks[4], (N,), minval=40.0, maxval=472.0)
    bw = jax.random.uniform(ks[5], (N,), minval=16.0, maxval=128.0)
    bh = jax.random.uniform(ks[6], (N,), minval=16.0, maxval=128.0)
    x1 = jnp.clip(cx - bw / 2.0, 0.0, 512.0)
    x2 = jnp.clip(cx + bw / 2.0, 0.0, 512.0)
    y1 = jnp.clip(cy - bh / 2.0, 0.0, 512.0)
    y2 = jnp.clip(cy + bh / 2.0, 0.0, 512.0)
    inp['rois'] = jnp.stack([binds, x1, y1, x2, y2], axis=1)
    inp['roi_labels'] = jax.random.randint(ks[7], (N,), 0, K)
    inp['num_points'] = 128
    inp['W_sem'] = jax.random.normal(ks[8], (256, 256), dtype=jnp.float32) * 0.05
    inp['b_sem'] = jnp.zeros((256,), dtype=jnp.float32)
    inp['W_inst'] = jax.random.normal(ks[9], (K, C), dtype=jnp.float32) * 0.05
    inp['b_inst'] = jnp.zeros((K,), dtype=jnp.float32)
    inp['W_det'] = jax.random.normal(ks[10], (K, C), dtype=jnp.float32) * 0.05
    inp['b_det'] = jnp.zeros((K,), dtype=jnp.float32)
    inp['W_fc0'] = jax.random.normal(ks[11], (256, fc_in), dtype=jnp.float32) * 0.05
    inp['b_fc0'] = jnp.zeros((256,), dtype=jnp.float32)
    inp['W_fc1'] = jax.random.normal(ks[12], (256, fc_in), dtype=jnp.float32) * 0.05
    inp['b_fc1'] = jnp.zeros((256,), dtype=jnp.float32)
    inp['W_fc2'] = jax.random.normal(ks[13], (256, fc_in), dtype=jnp.float32) * 0.05
    inp['b_fc2'] = jnp.zeros((256,), dtype=jnp.float32)
    inp['W_logits'] = jax.random.normal(ks[14], (256, fc_in), dtype=jnp.float32) * 0.05
    inp['b_logits'] = jnp.zeros((256,), dtype=jnp.float32)
    inp['W_fuse'] = jax.random.normal(ks[15], (256, 256), dtype=jnp.float32) * 0.05
    inp['b_fuse'] = jnp.zeros((256,), dtype=jnp.float32)
    return inp


def reference(instance_feats, semantic_feat, rois, roi_labels, num_points, W_sem, b_sem, W_inst, b_inst, W_det, b_det, W_fc0, b_fc0, W_fc1, b_fc1, W_fc2, b_fc2, W_logits, b_logits, W_fuse, b_fuse):
    N, C, H, W = instance_feats.shape
    K = W_inst.shape[0]
    ar = jnp.arange(N)
    # semantic transform in
    sem = jax.nn.relu(jnp.einsum('oc,bchw->bohw', W_sem, semantic_feat) + b_sem[None, :, None, None])
    # instance / detail 1x1 conv logits
    inst_full = jnp.einsum('oc,nchw->nohw', W_inst, instance_feats) + b_inst[None, :, None, None]
    det_full = jnp.einsum('oc,nchw->nohw', W_det, instance_feats) + b_det[None, :, None, None]
    inst_preds = inst_full[ar, roi_labels][:, None]  # [N,1,H,W]
    det_preds = det_full[ar, roi_labels][:, None]    # [N,1,H,W]
    detail_masks = det_preds  # mask_use_sigmoid=False
    # top-k most uncertain (highest detail logit) points
    P = min(H * W, 128)
    pm = jax.lax.stop_gradient(detail_masks).reshape(N, H * W)
    pm = pm + 0.0 * jnp.asarray(num_points).astype(pm.dtype)
    _, point_indices = jax.lax.top_k(pm, P)  # [N,P]
    w_step = 1.0 / W
    h_step = 1.0 / H
    xs = w_step / 2.0 + (point_indices % W).astype(jnp.float32) * w_step
    ys = h_step / 2.0 + (point_indices // W).astype(jnp.float32) * h_step
    # rel roi point -> rel img point and point_sample on semantic feature
    spatial_scale = 1.0 / 4.0
    Hs, Ws = sem.shape[2], sem.shape[3]
    binds = rois[:, 0].astype(jnp.int32)
    x1, y1, x2, y2 = rois[:, 1], rois[:, 2], rois[:, 3], rois[:, 4]
    gx = (x1[:, None] + xs * (x2 - x1)[:, None]) * spatial_scale / Ws
    gy = (y1[:, None] + ys * (y2 - y1)[:, None]) * spatial_scale / Hs
    fine = _point_sample(sem, binds, gx, gy)  # [N, 256, P]
    # gather coarse per-class logits at the sampled points
    inst_flat = inst_full.reshape(N, K, H * W)
    det_flat = det_full.reshape(N, K, H * W)
    idx = jnp.broadcast_to(point_indices[:, None, :], (N, K, P))
    coarse_inst = jnp.take_along_axis(inst_flat, idx, axis=2)
    coarse_det = jnp.take_along_axis(det_flat, idx, axis=2)
    x = jnp.concatenate([fine, coarse_inst, coarse_det], axis=1)
    for Wf, bf in ((W_fc0, b_fc0), (W_fc1, b_fc1), (W_fc2, b_fc2)):
        x = jax.nn.relu(jnp.einsum('oc,ncp->nop', Wf, x) + bf[None, :, None])
        x = jnp.concatenate([x, coarse_inst, coarse_det], axis=1)  # coarse_pred_each_layer
    mask_point_feats = jnp.einsum('oc,ncp->nop', W_logits, x) + b_logits[None, :, None]  # [N,C,P]
    # scatter refined point feats back into coarse features
    coarse_feats = instance_feats.reshape(N, C, H * W)
    pi = jnp.broadcast_to(point_indices[:, None, :], (N, C, P))
    refined = coarse_feats.at[ar[:, None, None], jnp.arange(C)[None, :, None], pi].set(mask_point_feats)
    refined = refined.reshape(N, C, H, W)
    refined = jax.nn.relu(jnp.einsum('oc,nchw->nohw', W_fuse, refined) + b_fuse[None, :, None, None])
    refined = jax.image.resize(refined, (N, refined.shape[1], H * 2, W * 2), method='bilinear')
    refined = jax.nn.relu(refined)
    return (inst_preds, det_preds, refined)

if __name__ == "__main__":
    import jax
    _d = setup_inputs()
    print(jax.jit(kernel)(*tuple(_d.values())))

</pallas_src>

<mosaic_0001>
#map = affine_map<(d0, d1) -> (0, 0)>
#map1 = affine_map<(d0, d1) -> (0)>
module attributes {stable_mosaic.version = 14 : i64} {
  func.func @body(%arg0: i32, %arg1: i32, %arg2: memref<32768x256xf32, #tpu.memory_space<hbm>>, %arg3: memref<100352xi32, #tpu.memory_space<hbm>>, %arg4: memref<100352xi32, #tpu.memory_space<hbm>>, %arg5: memref<100352xi32, #tpu.memory_space<hbm>>, %arg6: memref<100352xi32, #tpu.memory_space<hbm>>, %arg7: memref<100352x256xf32, #tpu.memory_space<hbm>>, %arg8: memref<100352x256xf32, #tpu.memory_space<hbm>>, %arg9: memref<100352x256xf32, #tpu.memory_space<hbm>>, %arg10: memref<100352x256xf32, #tpu.memory_space<hbm>>, %arg11: memref<112xi32, #tpu.memory_space<vmem>>, %arg12: memref<112x256xf32, #tpu.memory_space<vmem>>, %arg13: memref<!tpu.dma_semaphore, #tpu.memory_space<semaphore_mem>>) attributes {dimension_semantics = [#tpu.dimension_semantics<core_parallel>, #tpu.dimension_semantics<subcore_parallel>], iteration_bounds = array<i64: 2, 16>, scalar_prefetch = 0 : i64, scratch_operands = 3 : i64, tpu.core_type = #tpu.core_type<sc_vector_subcore>, window_params = [{transform_indices = #map}, {transform_indices = #map1}, {transform_indices = #map1}, {transform_indices = #map1}, {transform_indices = #map1}, {transform_indices = #map}, {transform_indices = #map}, {transform_indices = #map}, {transform_indices = #map}]} {
    %mul3A = arith.constant 2 : i32
    %mul3A_0 = arith.muli %arg1, %mul3A : i32
    %add3A = arith.addi %mul3A_0, %arg0 : i32
    %mul3A_1 = arith.constant 3136 : i32
    %mul3A_2 = arith.muli %add3A, %mul3A_1 : i32
    %scan3A = arith.constant 0 : i32
    %scan3A_3 = arith.constant 28 : i32
    %scan3A_4 = arith.addi %scan3A, %scan3A_3 : i32
    %scan3A_5 = arith.constant 1 : i32
    scf.for %scan3A_7 = %scan3A to %scan3A_4 step %scan3A_5  : i32 {
      %mul3A_8 = arith.constant 1 : i32
      %mul3A_9 = arith.muli %scan3A_7, %mul3A_8 : i32
      %add3A_10 = arith.constant 0 : i32
      %add3A_11 = arith.addi %add3A_10, %mul3A_9 : i32
      %mul3A_12 = arith.constant 112 : i32
      %mul3A_13 = arith.muli %add3A_11, %mul3A_12 : i32
      %add3A_14 = arith.addi %mul3A_2, %mul3A_13 : i32
      "tpu.region"() ({
        %run_scoped3A = tpu.sem_alloc : memref<!tpu.dma_semaphore, #tpu.memory_space<semaphore_mem>>
        %dma_start3A_37 = tpu.memref_slice %arg3[%add3A_14] : memref<100352xi32, #tpu.memory_space<hbm>> -> memref<112xi32, #tpu.memory_space<hbm>>
        %dma_start3A_38 = tpu.memref_slice %arg3[%add3A_14] : memref<100352xi32, #tpu.memory_space<hbm>> -> memref<112xi32, #tpu.memory_space<hbm>>
        tpu.enqueue_dma source(%dma_start3A_38 : memref<112xi32, #tpu.memory_space<hbm>>) target(%arg11 : memref<112xi32, #tpu.memory_space<vmem>>) target_semaphore(%run_scoped3A : memref<!tpu.dma_semaphore, #tpu.memory_space<semaphore_mem>>)
        %dma_wait3A_39 = tpu.memref_slice %arg3[%add3A_14] : memref<100352xi32, #tpu.memory_space<hbm>> -> memref<112xi32, #tpu.memory_space<hbm>>
        %dma_wait3A_40 = tpu.memref_slice %arg3[%add3A_14] : memref<100352xi32, #tpu.memory_space<hbm>> -> memref<112xi32, #tpu.memory_space<hbm>>
        tpu.wait_dma2 semaphore(%run_scoped3A : memref<!tpu.dma_semaphore, #tpu.memory_space<semaphore_mem>>) src(%dma_wait3A_40 : memref<112xi32, #tpu.memory_space<hbm>>) dst(%arg11 : memref<112xi32, #tpu.memory_space<vmem>>)
        tpu.yield
      }) : () -> ()
      %dma_start3A = arith.constant 0 : i32
      %dma_start3A_15 = arith.constant 0 : i32
      %dma_start3A_16 = tpu.memref_slice %arg2[%dma_start3A, %dma_start3A_15] : memref<32768x256xf32, #tpu.memory_space<hbm>> -> memref<32768x256xf32, #tpu.memory_space<hbm>>
      tpu.enqueue_indirect_dma source(%dma_start3A_16 : memref<32768x256xf32, #tpu.memory_space<hbm>>) target(%arg12 : memref<112x256xf32, #tpu.memory_space<vmem>>) offsets(%arg11 : memref<112xi32, #tpu.memory_space<vmem>>) semaphore(%arg13 : memref<!tpu.dma_semaphore, #tpu.memory_space<semaphore_mem>>)
      %dma_wait3A = arith.constant 0 : i32
      %dma_wait3A_17 = arith.constant 0 : i32
      %dma_wait3A_18 = tpu.memref_slice %arg2[%dma_wait3A, %dma_wait3A_17] : memref<32768x256xf32, #tpu.memory_space<hbm>> -> memref<32768x256xf32, #tpu.memory_space<hbm>>
      tpu.wait_indirect_dma semaphore(%arg13 : memref<!tpu.dma_semaphore, #tpu.memory_space<semaphore_mem>>) src(%dma_wait3A_18 : memref<32768x256xf32, #tpu.memory_space<hbm>>) dst(%arg12 : memref<112x256xf32, #tpu.memory_space<vmem>>)
      "tpu.region"() ({
        %run_scoped3A = tpu.sem_alloc : memref<!tpu.dma_semaphore, #tpu.memory_space<semaphore_mem>>
        %dma_start3A_37 = arith.constant 0 : i32
        %dma_start3A_38 = tpu.memref_slice %arg7[%add3A_14, %dma_start3A_37] : memref<100352x256xf32, #tpu.memory_space<hbm>> -> memref<112x256xf32, #tpu.memory_space<hbm>>
        %dma_start3A_39 = arith.constant 0 : i32
        %dma_start3A_40 = tpu.memref_slice %arg7[%add3A_14, %dma_start3A_39] : memref<100352x256xf32, #tpu.memory_space<hbm>> -> memref<112x256xf32, #tpu.memory_space<hbm>>
        tpu.enqueue_dma source(%arg12 : memref<112x256xf32, #tpu.memory_space<vmem>>) target(%dma_start3A_40 : memref<112x256xf32, #tpu.memory_space<hbm>>) target_semaphore(%run_scoped3A : memref<!tpu.dma_semaphore, #tpu.memory_space<semaphore_mem>>)
        %dma_wait3A_41 = arith.constant 0 : i32
        %dma_wait3A_42 = tpu.memref_slice %arg7[%add3A_14, %dma_wait3A_41] : memref<100352x256xf32, #tpu.memory_space<hbm>> -> memref<112x256xf32, #tpu.memory_space<hbm>>
        %dma_wait3A_43 = arith.constant 0 : i32
        %dma_wait3A_44 = tpu.memref_slice %arg7[%add3A_14, %dma_wait3A_43] : memref<100352x256xf32, #tpu.memory_space<hbm>> -> memref<112x256xf32, #tpu.memory_space<hbm>>
        tpu.wait_dma2 semaphore(%run_scoped3A : memref<!tpu.dma_semaphore, #tpu.memory_space<semaphore_mem>>) src(%arg12 : memref<112x256xf32, #tpu.memory_space<vmem>>) dst(%dma_wait3A_44 : memref<112x256xf32, #tpu.memory_space<hbm>>)
        tpu.yield
      }) : () -> ()
      "tpu.region"() ({
        %run_scoped3A = tpu.sem_alloc : memref<!tpu.dma_semaphore, #tpu.memory_space<semaphore_mem>>
        %dma_start3A_37 = tpu.memref_slice %arg4[%add3A_14] : memref<100352xi32, #tpu.memory_space<hbm>> -> memref<112xi32, #tpu.memory_space<hbm>>
        %dma_start3A_38 = tpu.memref_slice %arg4[%add3A_14] : memref<100352xi32, #tpu.memory_space<hbm>> -> memref<112xi32, #tpu.memory_space<hbm>>
        tpu.enqueue_dma source(%dma_start3A_38 : memref<112xi32, #tpu.memory_space<hbm>>) target(%arg11 : memref<112xi32, #tpu.memory_space<vmem>>) target_semaphore(%run_scoped3A : memref<!tpu.dma_semaphore, #tpu.memory_space<semaphore_mem>>)
        %dma_wait3A_39 = tpu.memref_slice %arg4[%add3A_14] : memref<100352xi32, #tpu.memory_space<hbm>> -> memref<112xi32, #tpu.memory_space<hbm>>
        %dma_wait3A_40 = tpu.memref_slice %arg4[%add3A_14] : memref<100352xi32, #tpu.memory_space<hbm>> -> memref<112xi32, #tpu.memory_space<hbm>>
        tpu.wait_dma2 semaphore(%run_scoped3A : memref<!tpu.dma_semaphore, #tpu.memory_space<semaphore_mem>>) src(%dma_wait3A_40 : memref<112xi32, #tpu.memory_space<hbm>>) dst(%arg11 : memref<112xi32, #tpu.memory_space<vmem>>)
        tpu.yield
      }) : () -> ()
      %dma_start3A_19 = arith.constant 0 : i32
      %dma_start3A_20 = arith.constant 0 : i32
      %dma_start3A_21 = tpu.memref_slice %arg2[%dma_start3A_19, %dma_start3A_20] : memref<32768x256xf32, #tpu.memory_space<hbm>> -> memref<32768x256xf32, #tpu.memory_space<hbm>>
      tpu.enqueue_indirect_dma source(%dma_start3A_21 : memref<32768x256xf32, #tpu.memory_space<hbm>>) target(%arg12 : memref<112x256xf32, #tpu.memory_space<vmem>>) offsets(%arg11 : memref<112xi32, #tpu.memory_space<vmem>>) semaphore(%arg13 : memref<!tpu.dma_semaphore, #tpu.memory_space<semaphore_mem>>)
      %dma_wait3A_22 = arith.constant 0 : i32
      %dma_wait3A_23 = arith.constant 0 : i32
      %dma_wait3A_24 = tpu.memref_slice %arg2[%dma_wait3A_22, %dma_wait3A_23] : memref<32768x256xf32, #tpu.memory_space<hbm>> -> memref<32768x256xf32, #tpu.memory_space<hbm>>
      tpu.wait_indirect_dma semaphore(%arg13 : memref<!tpu.dma_semaphore, #tpu.memory_space<semaphore_mem>>) src(%dma_wait3A_24 : memref<32768x256xf32, #tpu.memory_space<hbm>>) dst(%arg12 : memref<112x256xf32, #tpu.memory_space<vmem>>)
      "tpu.region"() ({
        %run_scoped3A = tpu.sem_alloc : memref<!tpu.dma_semaphore, #tpu.memory_space<semaphore_mem>>
        %dma_start3A_37 = arith.constant 0 : i32
        %dma_start3A_38 = tpu.memref_slice %arg8[%add3A_14, %dma_start3A_37] : memref<100352x256xf32, #tpu.memory_space<hbm>> -> memref<112x256xf32, #tpu.memory_space<hbm>>
        %dma_start3A_39 = arith.constant 0 : i32
        %dma_start3A_40 = tpu.memref_slice %arg8[%add3A_14, %dma_start3A_39] : memref<100352x256xf32, #tpu.memory_space<hbm>> -> memref<112x256xf32, #tpu.memory_space<hbm>>
        tpu.enqueue_dma source(%arg12 : memref<112x256xf32, #tpu.memory_space<vmem>>) target(%dma_start3A_40 : memref<112x256xf32, #tpu.memory_space<hbm>>) target_semaphore(%run_scoped3A : memref<!tpu.dma_semaphore, #tpu.memory_space<semaphore_mem>>)
        %dma_wait3A_41 = arith.constant 0 : i32
        %dma_wait3A_42 = tpu.memref_slice %arg8[%add3A_14, %dma_wait3A_41] : memref<100352x256xf32, #tpu.memory_space<hbm>> -> memref<112x256xf32, #tpu.memory_space<hbm>>
        %dma_wait3A_43 = arith.constant 0 : i32
        %dma_wait3A_44 = tpu.memref_slice %arg8[%add3A_14, %dma_wait3A_43] : memref<100352x256xf32, #tpu.memory_space<hbm>> -> memref<112x256xf32, #tpu.memory_space<hbm>>
        tpu.wait_dma2 semaphore(%run_scoped3A : memref<!tpu.dma_semaphore, #tpu.memory_space<semaphore_mem>>) src(%arg12 : memref<112x256xf32, #tpu.memory_space<vmem>>) dst(%dma_wait3A_44 : memref<112x256xf32, #tpu.memory_space<hbm>>)
        tpu.yield
      }) : () -> ()
      "tpu.region"() ({
        %run_scoped3A = tpu.sem_alloc : memref<!tpu.dma_semaphore, #tpu.memory_space<semaphore_mem>>
        %dma_start3A_37 = tpu.memref_slice %arg5[%add3A_14] : memref<100352xi32, #tpu.memory_space<hbm>> -> memref<112xi32, #tpu.memory_space<hbm>>
        %dma_start3A_38 = tpu.memref_slice %arg5[%add3A_14] : memref<100352xi32, #tpu.memory_space<hbm>> -> memref<112xi32, #tpu.memory_space<hbm>>
        tpu.enqueue_dma source(%dma_start3A_38 : memref<112xi32, #tpu.memory_space<hbm>>) target(%arg11 : memref<112xi32, #tpu.memory_space<vmem>>) target_semaphore(%run_scoped3A : memref<!tpu.dma_semaphore, #tpu.memory_space<semaphore_mem>>)
        %dma_wait3A_39 = tpu.memref_slice %arg5[%add3A_14] : memref<100352xi32, #tpu.memory_space<hbm>> -> memref<112xi32, #tpu.memory_space<hbm>>
        %dma_wait3A_40 = tpu.memref_slice %arg5[%add3A_14] : memref<100352xi32, #tpu.memory_space<hbm>> -> memref<112xi32, #tpu.memory_space<hbm>>
        tpu.wait_dma2 semaphore(%run_scoped3A : memref<!tpu.dma_semaphore, #tpu.memory_space<semaphore_mem>>) src(%dma_wait3A_40 : memref<112xi32, #tpu.memory_space<hbm>>) dst(%arg11 : memref<112xi32, #tpu.memory_space<vmem>>)
        tpu.yield
      }) : () -> ()
      %dma_start3A_25 = arith.constant 0 : i32
      %dma_start3A_26 = arith.constant 0 : i32
      %dma_start3A_27 = tpu.memref_slice %arg2[%dma_start3A_25, %dma_start3A_26] : memref<32768x256xf32, #tpu.memory_space<hbm>> -> memref<32768x256xf32, #tpu.memory_space<hbm>>
      tpu.enqueue_indirect_dma source(%dma_start3A_27 : memref<32768x256xf32, #tpu.memory_space<hbm>>) target(%arg12 : memref<112x256xf32, #tpu.memory_space<vmem>>) offsets(%arg11 : memref<112xi32, #tpu.memory_space<vmem>>) semaphore(%arg13 : memref<!tpu.dma_semaphore, #tpu.memory_space<semaphore_mem>>)
      %dma_wait3A_28 = arith.constant 0 : i32
      %dma_wait3A_29 = arith.constant 0 : i32
      %dma_wait3A_30 = tpu.memref_slice %arg2[%dma_wait3A_28, %dma_wait3A_29] : memref<32768x256xf32, #tpu.memory_space<hbm>> -> memref<32768x256xf32, #tpu.memory_space<hbm>>
      tpu.wait_indirect_dma semaphore(%arg13 : memref<!tpu.dma_semaphore, #tpu.memory_space<semaphore_mem>>) src(%dma_wait3A_30 : memref<32768x256xf32, #tpu.memory_space<hbm>>) dst(%arg12 : memref<112x256xf32, #tpu.memory_space<vmem>>)
      "tpu.region"() ({
        %run_scoped3A = tpu.sem_alloc : memref<!tpu.dma_semaphore, #tpu.memory_space<semaphore_mem>>
        %dma_start3A_37 = arith.constant 0 : i32
        %dma_start3A_38 = tpu.memref_slice %arg9[%add3A_14, %dma_start3A_37] : memref<100352x256xf32, #tpu.memory_space<hbm>> -> memref<112x256xf32, #tpu.memory_space<hbm>>
        %dma_start3A_39 = arith.constant 0 : i32
        %dma_start3A_40 = tpu.memref_slice %arg9[%add3A_14, %dma_start3A_39] : memref<100352x256xf32, #tpu.memory_space<hbm>> -> memref<112x256xf32, #tpu.memory_space<hbm>>
        tpu.enqueue_dma source(%arg12 : memref<112x256xf32, #tpu.memory_space<vmem>>) target(%dma_start3A_40 : memref<112x256xf32, #tpu.memory_space<hbm>>) target_semaphore(%run_scoped3A : memref<!tpu.dma_semaphore, #tpu.memory_space<semaphore_mem>>)
        %dma_wait3A_41 = arith.constant 0 : i32
        %dma_wait3A_42 = tpu.memref_slice %arg9[%add3A_14, %dma_wait3A_41] : memref<100352x256xf32, #tpu.memory_space<hbm>> -> memref<112x256xf32, #tpu.memory_space<hbm>>
        %dma_wait3A_43 = arith.constant 0 : i32
        %dma_wait3A_44 = tpu.memref_slice %arg9[%add3A_14, %dma_wait3A_43] : memref<100352x256xf32, #tpu.memory_space<hbm>> -> memref<112x256xf32, #tpu.memory_space<hbm>>
        tpu.wait_dma2 semaphore(%run_scoped3A : memref<!tpu.dma_semaphore, #tpu.memory_space<semaphore_mem>>) src(%arg12 : memref<112x256xf32, #tpu.memory_space<vmem>>) dst(%dma_wait3A_44 : memref<112x256xf32, #tpu.memory_space<hbm>>)
        tpu.yield
      }) : () -> ()
      "tpu.region"() ({
        %run_scoped3A = tpu.sem_alloc : memref<!tpu.dma_semaphore, #tpu.memory_space<semaphore_mem>>
        %dma_start3A_37 = tpu.memref_slice %arg6[%add3A_14] : memref<100352xi32, #tpu.memory_space<hbm>> -> memref<112xi32, #tpu.memory_space<hbm>>
        %dma_start3A_38 = tpu.memref_slice %arg6[%add3A_14] : memref<100352xi32, #tpu.memory_space<hbm>> -> memref<112xi32, #tpu.memory_space<hbm>>
        tpu.enqueue_dma source(%dma_start3A_38 : memref<112xi32, #tpu.memory_space<hbm>>) target(%arg11 : memref<112xi32, #tpu.memory_space<vmem>>) target_semaphore(%run_scoped3A : memref<!tpu.dma_semaphore, #tpu.memory_space<semaphore_mem>>)
        %dma_wait3A_39 = tpu.memref_slice %arg6[%add3A_14] : memref<100352xi32, #tpu.memory_space<hbm>> -> memref<112xi32, #tpu.memory_space<hbm>>
        %dma_wait3A_40 = tpu.memref_slice %arg6[%add3A_14] : memref<100352xi32, #tpu.memory_space<hbm>> -> memref<112xi32, #tpu.memory_space<hbm>>
        tpu.wait_dma2 semaphore(%run_scoped3A : memref<!tpu.dma_semaphore, #tpu.memory_space<semaphore_mem>>) src(%dma_wait3A_40 : memref<112xi32, #tpu.memory_space<hbm>>) dst(%arg11 : memref<112xi32, #tpu.memory_space<vmem>>)
        tpu.yield
      }) : () -> ()
      %dma_start3A_31 = arith.constant 0 : i32
      %dma_start3A_32 = arith.constant 0 : i32
      %dma_start3A_33 = tpu.memref_slice %arg2[%dma_start3A_31, %dma_start3A_32] : memref<32768x256xf32, #tpu.memory_space<hbm>> -> memref<32768x256xf32, #tpu.memory_space<hbm>>
      tpu.enqueue_indirect_dma source(%dma_start3A_33 : memref<32768x256xf32, #tpu.memory_space<hbm>>) target(%arg12 : memref<112x256xf32, #tpu.memory_space<vmem>>) offsets(%arg11 : memref<112xi32, #tpu.memory_space<vmem>>) semaphore(%arg13 : memref<!tpu.dma_semaphore, #tpu.memory_space<semaphore_mem>>)
      %dma_wait3A_34 = arith.constant 0 : i32
      %dma_wait3A_35 = arith.constant 0 : i32
      %dma_wait3A_36 = tpu.memref_slice %arg2[%dma_wait3A_34, %dma_wait3A_35] : memref<32768x256xf32, #tpu.memory_space<hbm>> -> memref<32768x256xf32, #tpu.memory_space<hbm>>
      tpu.wait_indirect_dma semaphore(%arg13 : memref<!tpu.dma_semaphore, #tpu.memory_space<semaphore_mem>>) src(%dma_wait3A_36 : memref<32768x256xf32, #tpu.memory_space<hbm>>) dst(%arg12 : memref<112x256xf32, #tpu.memory_space<vmem>>)
      "tpu.region"() ({
        %run_scoped3A = tpu.sem_alloc : memref<!tpu.dma_semaphore, #tpu.memory_space<semaphore_mem>>
        %dma_start3A_37 = arith.constant 0 : i32
        %dma_start3A_38 = tpu.memref_slice %arg10[%add3A_14, %dma_start3A_37] : memref<100352x256xf32, #tpu.memory_space<hbm>> -> memref<112x256xf32, #tpu.memory_space<hbm>>
        %dma_start3A_39 = arith.constant 0 : i32
        %dma_start3A_40 = tpu.memref_slice %arg10[%add3A_14, %dma_start3A_39] : memref<100352x256xf32, #tpu.memory_space<hbm>> -> memref<112x256xf32, #tpu.memory_space<hbm>>
        tpu.enqueue_dma source(%arg12 : memref<112x256xf32, #tpu.memory_space<vmem>>) target(%dma_start3A_40 : memref<112x256xf32, #tpu.memory_space<hbm>>) target_semaphore(%run_scoped3A : memref<!tpu.dma_semaphore, #tpu.memory_space<semaphore_mem>>)
        %dma_wait3A_41 = arith.constant 0 : i32
        %dma_wait3A_42 = tpu.memref_slice %arg10[%add3A_14, %dma_wait3A_41] : memref<100352x256xf32, #tpu.memory_space<hbm>> -> memref<112x256xf32, #tpu.memory_space<hbm>>
        %dma_wait3A_43 = arith.constant 0 : i32
        %dma_wait3A_44 = tpu.memref_slice %arg10[%add3A_14, %dma_wait3A_43] : memref<100352x256xf32, #tpu.memory_space<hbm>> -> memref<112x256xf32, #tpu.memory_space<hbm>>
        tpu.wait_dma2 semaphore(%run_scoped3A : memref<!tpu.dma_semaphore, #tpu.memory_space<semaphore_mem>>) src(%arg12 : memref<112x256xf32, #tpu.memory_space<vmem>>) dst(%dma_wait3A_44 : memref<112x256xf32, #tpu.memory_space<hbm>>)
        tpu.yield
      }) : () -> ()
    }
    %scan3A_6 = arith.constant 28 : i32
    return
  }
}

module attributes {stable_mosaic.version = 14 : i64} {
  func.func @_sem_body(%arg0: i32, %arg1: i32, %arg2: memref<1x256x32x128xf32, #tpu.memory_space<vmem>>, %arg3: memref<256x256xf32, #tpu.memory_space<vmem>>, %arg4: memref<1x256xf32, #tpu.memory_space<vmem>>, %arg5: memref<4096x256xf32, #tpu.memory_space<vmem>>) attributes {dimension_semantics = [#tpu.dimension_semantics<arbitrary>, #tpu.dimension_semantics<arbitrary>], iteration_bounds = array<i64: 2, 4>, scalar_prefetch = 0 : i64, scratch_operands = 0 : i64, tpu.core_type = #tpu.core_type<tc>, window_params = [{transform_indices = @transform_0, window_bounds = array<i64: 1, 256, 32, 128>}, {pipeline_mode = #tpu.pipeline_mode<synchronous>, transform_indices = @transform_1, window_bounds = array<i64: 256, 256>}, {pipeline_mode = #tpu.pipeline_mode<synchronous>, transform_indices = @transform_2, window_bounds = array<i64: 1, 256>}, {transform_indices = @transform_3, window_bounds = array<i64: 4096, 256>}]} {
    %get3A = arith.constant 0 : index
    %get3A_0 = arith.constant 0 : index
    %get3A_1 = arith.constant 0 : index
    %get3A_2 = arith.constant 0 : index
    %get3A_3 = vector.load %arg2[%get3A, %get3A_0, %get3A_1, %get3A_2] : memref<1x256x32x128xf32, #tpu.memory_space<vmem>>, vector<1x256x32x128xf32>
    %get3A_4 = vector.shape_cast %get3A_3 : vector<1x256x32x128xf32> to vector<256x32x128xf32>
    %reshape3A = vector.shape_cast %get3A_4 : vector<256x32x128xf32> to vector<256x4096xf32>
    %get3A_5 = arith.constant 0 : index
    %get3A_6 = arith.constant 0 : index
    %get3A_7 = vector.load %arg3[%get3A_5, %get3A_6] : memref<256x256xf32, #tpu.memory_space<vmem>>, vector<256x256xf32>
    %dot_general3A = arith.constant dense<0.000000e+00> : vector<4096x256xf32>
    %dot_general3A_8 = tpu.matmul %reshape3A, %get3A_7, %dot_general3A {dimension_numbers = #tpu.dot_dimension_numbers<[0], [1], [1], [0], [0, 1, 1, 0], [], []>, transpose_lhs_hint = false} : vector<256x4096xf32>, vector<256x256xf32>, vector<4096x256xf32> -> vector<4096x256xf32>
    %get3A_9 = arith.constant 0 : index
    %get3A_10 = arith.constant 0 : index
    %get3A_11 = vector.load %arg4[%get3A_9, %get3A_10] : memref<1x256xf32, #tpu.memory_space<vmem>>, vector<1x256xf32>
    %add3A = vector.broadcast %get3A_11 : vector<1x256xf32> to vector<4096x256xf32>
    %add3A_12 = arith.addf %dot_general3A_8, %add3A : vector<4096x256xf32>
    %max3A = arith.constant 0.000000e+00 : f32
    %max3A_13 = vector.broadcast %max3A : f32 to vector<4096x256xf32>
    %max3A_14 = arith.maximumf %add3A_12, %max3A_13 : vector<4096x256xf32>
    %swap3A = arith.constant 0 : index
    %swap3A_15 = arith.constant 0 : index
    %swap3A_16 = vector.load %arg5[%swap3A, %swap3A_15] : memref<4096x256xf32, #tpu.memory_space<vmem>>, vector<4096x256xf32>
    tpu.vector_store %arg5[%swap3A, %swap3A_15], %max3A_14 {strides = array<i32>} : memref<4096x256xf32, #tpu.memory_space<vmem>>, vector<4096x256xf32>,
    return
  }
  func.func @transform_0(%arg0: i32, %arg1: i32) -> (i32, i32, i32, i32) {
    %c0_i32 = arith.constant 0 : i32
    %c0_i32_0 = arith.constant 0 : i32
    %c0_i32_1 = arith.constant 0 : i32
    return %arg0, %c0_i32, %arg1, %c0_i32_0 : i32, i32, i32, i32
  }
  func.func @transform_1(%arg0: i32, %arg1: i32) -> (i32, i32) {
    %c0_i32 = arith.constant 0 : i32
    %c0_i32_0 = arith.constant 0 : i32
    %c0_i32_1 = arith.constant 0 : i32
    return %c0_i32, %c0_i32_0 : i32, i32
  }
  func.func @transform_2(%arg0: i32, %arg1: i32) -> (i32, i32) {
    %c0_i32 = arith.constant 0 : i32
    %c0_i32_0 = arith.constant 0 : i32
    %c0_i32_1 = arith.constant 0 : i32
    return %c0_i32, %c0_i32_0 : i32, i32
  }
  func.func @transform_3(%arg0: i32, %arg1: i32) -> (i32, i32) {
    %mul3A = arith.constant 4 : i32
    %mul3A_0 = arith.muli %arg0, %mul3A : i32
    %add3A = arith.addi %mul3A_0, %arg1 : i32
    %c0_i32 = arith.constant 0 : i32
    %c0_i32_1 = arith.constant 0 : i32
    return %add3A, %c0_i32 : i32, i32
  }
}

module attributes {stable_mosaic.version = 14 : i64} {
  func.func @_roi_body(%arg0: i32, %arg1: memref<1x256x196xf32, #tpu.memory_space<vmem>>, %arg2: memref<1x196x256xf32, #tpu.memory_space<vmem>>, %arg3: memref<1x196x256xf32, #tpu.memory_space<vmem>>, %arg4: memref<1x196x256xf32, #tpu.memory_space<vmem>>, %arg5: memref<1x196x256xf32, #tpu.memory_space<vmem>>, %arg6: memref<1x196x8xf32, #tpu.memory_space<vmem>>, %arg7: memref<1x1x80xf32, #tpu.memory_space<vmem>>, %arg8: memref<80x256xf32, #tpu.memory_space<vmem>>, %arg9: memref<80x1xf32, #tpu.memory_space<vmem>>, %arg10: memref<80x256xf32, #tpu.memory_space<vmem>>, %arg11: memref<80x1xf32, #tpu.memory_space<vmem>>, %arg12: memref<256x416xf32, #tpu.memory_space<vmem>>, %arg13: memref<256x1xf32, #tpu.memory_space<vmem>>, %arg14: memref<256x416xf32, #tpu.memory_space<vmem>>, %arg15: memref<256x1xf32, #tpu.memory_space<vmem>>, %arg16: memref<256x416xf32, #tpu.memory_space<vmem>>, %arg17: memref<256x1xf32, #tpu.memory_space<vmem>>, %arg18: memref<256x416xf32, #tpu.memory_space<vmem>>, %arg19: memref<256x1xf32, #tpu.memory_space<vmem>>, %arg20: memref<256x256xf32, #tpu.memory_space<vmem>>, %arg21: memref<256x1xf32, #tpu.memory_space<vmem>>, %arg22: memref<784x196xf32, #tpu.memory_space<vmem>>, %arg23: memref<1x256x784xf32, #tpu.memory_space<vmem>>, %arg24: memref<1x1x196xf32, #tpu.memory_space<vmem>>, %arg25: memref<1x1x196xf32, #tpu.memory_space<vmem>>) attributes {dimension_semantics = [#tpu.dimension_semantics<arbitrary>], iteration_bounds = array<i64: 512>, scalar_prefetch = 0 : i64, scratch_operands = 0 : i64, tpu.core_type = #tpu.core_type<tc>, window_params = [{transform_indices = @transform_0, window_bounds = array<i64: 1, 256, 196>}, {transform_indices = @transform_1, window_bounds = array<i64: 1, 196, 256>}, {transform_indices = @transform_2, window_bounds = array<i64: 1, 196, 256>}, {transform_indices = @transform_3, window_bounds = array<i64: 1, 196, 256>}, {transform_indices = @transform_4, window_bounds = array<i64: 1, 196, 256>}, {transform_indices = @transform_5, window_bounds = array<i64: 1, 196, 8>}, {transform_indices = @transform_6, window_bounds = array<i64: 1, 1, 80>}, {pipeline_mode = #tpu.pipeline_mode<synchronous>, transform_indices = @transform_7, window_bounds = array<i64: 80, 256>}, {pipeline_mode = #tpu.pipeline_mode<synchronous>, transform_indices = @transform_8, window_bounds = array<i64: 80, 1>}, {pipeline_mode = #tpu.pipeline_mode<synchronous>, transform_indices = @transform_9, window_bounds = array<i64: 80, 256>}, {pipeline_mode = #tpu.pipeline_mode<synchronous>, transform_indices = @transform_10, window_bounds = array<i64: 80, 1>}, {pipeline_mode = #tpu.pipeline_mode<synchronous>, transform_indices = @transform_11, window_bounds = array<i64: 256, 416>}, {pipeline_mode = #tpu.pipeline_mode<synchronous>, transform_indices = @transform_12, window_bounds = array<i64: 256, 1>}, {pipeline_mode = #tpu.pipeline_mode<synchronous>, transform_indices = @transform_13, window_bounds = array<i64: 256, 416>}, {pipeline_mode = #tpu.pipeline_mode<synchronous>, transform_indices = @transform_14, window_bounds = array<i64: 256, 1>}, {pipeline_mode = #tpu.pipeline_mode<synchronous>, transform_indices = @transform_15, window_bounds = array<i64: 256, 416>}, {pipeline_mode = #tpu.pipeline_mode<synchronous>, transform_indices = @transform_16, window_bounds = array<i64: 256, 1>}, {pipeline_mode = #tpu.pipeline_mode<synchronous>, transform_indices = @transform_17, window_bounds = array<i64: 256, 416>}, {pipeline_mode = #tpu.pipeline_mode<synchronous>, transform_indices = @transform_18, window_bounds = array<i64: 256, 1>}, {pipeline_mode = #tpu.pipeline_mode<synchronous>, transform_indices = @transform_19, window_bounds = array<i64: 256, 256>}, {pipeline_mode = #tpu.pipeline_mode<synchronous>, transform_indices = @transform_20, window_bounds = array<i64: 256, 1>}, {pipeline_mode = #tpu.pipeline_mode<synchronous>, transform_indices = @transform_21, window_bounds = array<i64: 784, 196>}, {transform_indices = @transform_22, window_bounds = array<i64: 1, 256, 784>}, {transform_indices = @transform_23, window_bounds = array<i64: 1, 1, 196>}, {transform_indices = @transform_24, window_bounds = array<i64: 1, 1, 196>}]} {
    %get3A = arith.constant 0 : index
    %get3A_0 = arith.constant 0 : index
    %get3A_1 = arith.constant 0 : index
    %get3A_2 = vector.load %arg1[%get3A, %get3A_0, %get3A_1] : memref<1x256x196xf32, #tpu.memory_space<vmem>>, vector<1x256x196xf32>
    %get3A_3 = vector.shape_cast %get3A_2 : vector<1x256x196xf32> to vector<256x196xf32>
    %get3A_4 = arith.constant 0 : index
    %get3A_5 = arith.constant 0 : index
    %get3A_6 = vector.load %arg8[%get3A_4, %get3A_5] : memref<80x256xf32, #tpu.memory_space<vmem>>, vector<80x256xf32>
    %dot_general3A = arith.constant dense<0.000000e+00> : vector<80x196xf32>
    %dot_general3A_7 = tpu.matmul %get3A_6, %get3A_3, %dot_general3A {dimension_numbers = #tpu.dot_dimension_numbers<[1], [0], [0], [1], [0, 0, 1, 1], [], []>, transpose_lhs_hint = false} : vector<80x256xf32>, vector<256x196xf32>, vector<80x196xf32> -> vector<80x196xf32>
    %get3A_8 = arith.constant 0 : index
    %get3A_9 = arith.constant 0 : index
    %get3A_10 = vector.load %arg9[%get3A_8, %get3A_9] : memref<80x1xf32, #tpu.memory_space<vmem>>, vector<80x1xf32>
    %add3A = vector.broadcast %get3A_10 : vector<80x1xf32> to vector<80x196xf32>
    %add3A_11 = arith.addf %dot_general3A_7, %add3A : vector<80x196xf32>
    %get3A_12 = arith.constant 0 : index
    %get3A_13 = arith.constant 0 : index
    %get3A_14 = vector.load %arg10[%get3A_12, %get3A_13] : memref<80x256xf32, #tpu.memory_space<vmem>>, vector<80x256xf32>
    %dot_general3A_15 = arith.constant dense<0.000000e+00> : vector<80x196xf32>
    %dot_general3A_16 = tpu.matmul %get3A_14, %get3A_3, %dot_general3A_15 {dimension_numbers = #tpu.dot_dimension_numbers<[1], [0], [0], [1], [0, 0, 1, 1], [], []>, transpose_lhs_hint = false} : vector<80x256xf32>, vector<256x196xf32>, vector<80x196xf32> -> vector<80x196xf32>
    %get3A_17 = arith.constant 0 : index
    %get3A_18 = arith.constant 0 : index
    %get3A_19 = vector.load %arg11[%get3A_17, %get3A_18] : memref<80x1xf32, #tpu.memory_space<vmem>>, vector<80x1xf32>
    %add3A_20 = vector.broadcast %get3A_19 : vector<80x1xf32> to vector<80x196xf32>
    %add3A_21 = arith.addf %dot_general3A_16, %add3A_20 : vector<80x196xf32>
    %get3A_22 = arith.constant 0 : index
    %get3A_23 = arith.constant 0 : index
    %get3A_24 = arith.constant 0 : index
    %get3A_25 = vector.load %arg7[%get3A_22, %get3A_23, %get3A_24] : memref<1x1x80xf32, #tpu.memory_space<vmem>>, vector<1x1x80xf32>
    %get3A_26 = vector.shape_cast %get3A_25 : vector<1x1x80xf32> to vector<1x80xf32>
    %dot_general3A_27 = arith.constant dense<0.000000e+00> : vector<1x196xf32>
    %dot_general3A_28 = tpu.matmul %get3A_26, %add3A_11, %dot_general3A_27 {dimension_numbers = #tpu.dot_dimension_numbers<[1], [0], [0], [1], [0, 0, 1, 1], [], []>, transpose_lhs_hint = false} : vector<1x80xf32>, vector<80x196xf32>, vector<1x196xf32> -> vector<1x196xf32>
    %broadcast_in_dim3A = vector.shape_cast %dot_general3A_28 : vector<1x196xf32> to vector<1x1x196xf32>
    %swap3A = arith.constant 0 : index
    %swap3A_29 = arith.constant 0 : index
    %swap3A_30 = arith.constant 0 : index
    %swap3A_31 = vector.load %arg24[%swap3A, %swap3A_29, %swap3A_30] : memref<1x1x196xf32, #tpu.memory_space<vmem>>, vector<1x1x196xf32>
    tpu.vector_store %arg24[%swap3A, %swap3A_29, %swap3A_30], %broadcast_in_dim3A {strides = array<i32>} : memref<1x1x196xf32, #tpu.memory_space<vmem>>, vector<1x1x196xf32>,
    %dot_general3A_32 = arith.constant dense<0.000000e+00> : vector<1x196xf32>
    %dot_general3A_33 = tpu.matmul %get3A_26, %add3A_21, %dot_general3A_32 {dimension_numbers = #tpu.dot_dimension_numbers<[1], [0], [0], [1], [0, 0, 1, 1], [], []>, transpose_lhs_hint = false} : vector<1x80xf32>, vector<80x196xf32>, vector<1x196xf32> -> vector<1x196xf32>
    %broadcast_in_dim3A_34 = vector.shape_cast %dot_general3A_33 : vector<1x196xf32> to vector<1x1x196xf32>
    %swap3A_35 = arith.constant 0 : index
    %swap3A_36 = arith.constant 0 : index
    %swap3A_37 = arith.constant 0 : index
    %swap3A_38 = vector.load %arg25[%swap3A_35, %swap3A_36, %swap3A_37] : memref<1x1x196xf32, #tpu.memory_space<vmem>>, vector<1x1x196xf32>
    tpu.vector_store %arg25[%swap3A_35, %swap3A_36, %swap3A_37], %broadcast_in_dim3A_34 {strides = array<i32>} : memref<1x1x196xf32, #tpu.memory_space<vmem>>, vector<1x1x196xf32>,
    %get3A_39 = arith.constant 0 : index
    %get3A_40 = arith.constant 0 : index
    %get3A_41 = vector.load %arg10[%get3A_39, %get3A_40] : memref<80x256xf32, #tpu.memory_space<vmem>>, vector<80x256xf32>
    %dot_general3A_42 = arith.constant dense<0.000000e+00> : vector<256x1xf32>
    %dot_general3A_43 = tpu.matmul %get3A_41, %get3A_26, %dot_general3A_42 {dimension_numbers = #tpu.dot_dimension_numbers<[0], [1], [1], [0], [0, 1, 1, 0], [], []>, transpose_lhs_hint = false} : vector<80x256xf32>, vector<1x80xf32>, vector<256x1xf32> -> vector<256x1xf32>
    %dot_general3A_44 = arith.constant dense<0.000000e+00> : vector<196x1xf32>
    %dot_general3A_45 = tpu.matmul %get3A_3, %dot_general3A_43, %dot_general3A_44 {dimension_numbers = #tpu.dot_dimension_numbers<[0], [0], [1], [1], [0, 1, 1, 1], [], []>, transpose_lhs_hint = false} : vector<256x196xf32>, vector<256x1xf32>, vector<196x1xf32> -> vector<196x1xf32>
    %iota3A = tpu.iota {dimensions = array<i32: 0>} : vector<196x196xi32>
    %iota3A_46 = tpu.iota {dimensions = array<i32: 1>} : vector<196x196xi32>
    %eq3A = arith.cmpi eq, %iota3A, %iota3A_46 : vector<196x196xi32>
    %convert_element_type3A = arith.extui %eq3A : vector<196x196xi1> to vector<196x196xi32>
    %convert_element_type3A_47 = arith.sitofp %convert_element_type3A : vector<196x196xi32> to vector<196x196xf32>
    %dot_general3A_48 = arith.constant dense<0.000000e+00> : vector<1x196xf32>
    %dot_general3A_49 = tpu.matmul %dot_general3A_43, %get3A_3, %dot_general3A_48 {dimension_numbers = #tpu.dot_dimension_numbers<[0], [0], [1], [1], [0, 1, 1, 1], [], []>, transpose_lhs_hint = false} : vector<256x1xf32>, vector<256x196xf32>, vector<1x196xf32> -> vector<1x196xf32>
    %gt3A = vector.broadcast %dot_general3A_45 : vector<196x1xf32> to vector<196x196xf32>
    %gt3A_50 = vector.broadcast %dot_general3A_49 : vector<1x196xf32> to vector<196x196xf32>
    %gt3A_51 = arith.cmpf ogt, %gt3A, %gt3A_50 : vector<196x196xf32>
    %eq3A_52 = vector.broadcast %dot_general3A_45 : vector<196x1xf32> to vector<196x196xf32>
    %eq3A_53 = vector.broadcast %dot_general3A_49 : vector<1x196xf32> to vector<196x196xf32>
    %eq3A_54 = arith.cmpf oeq, %eq3A_52, %eq3A_53 : vector<196x196xf32>
    %lt3A = arith.cmpi slt, %iota3A, %iota3A_46 : vector<196x196xi32>
    %and3A = arith.andi %eq3A_54, %lt3A : vector<196x196xi1>
    %or3A = arith.ori %gt3A_51, %and3A : vector<196x196xi1>
    %convert_element_type3A_55 = arith.extui %or3A : vector<196x196xi1> to vector<196x196xi32>
    %convert_element_type3A_56 = arith.sitofp %convert_element_type3A_55 : vector<196x196xi32> to vector<196x196xf32>
    %reduce_sum3A = arith.constant dense<0.000000e+00> : vector<196xf32>
    %reduce_sum3A_57 = vector.multi_reduction <add>, %convert_element_type3A_56, %reduce_sum3A [0] : vector<196x196xf32> to vector<196xf32>
    %broadcast_in_dim3A_58 = vector.shape_cast %reduce_sum3A_57 : vector<196xf32> to vector<1x196xf32>
    %lt3A_59 = arith.constant 1.280000e+02 : f32
    %lt3A_60 = vector.broadcast %lt3A_59 : f32 to vector<1x196xf32>
    %lt3A_61 = arith.cmpf olt, %broadcast_in_dim3A_58, %lt3A_60 : vector<1x196xf32>
    %get3A_62 = arith.constant 0 : index
    %get3A_63 = arith.constant 0 : index
    %get3A_64 = arith.constant 0 : index
    %get3A_65 = vector.load %arg6[%get3A_62, %get3A_63, %get3A_64] : memref<1x196x8xf32, #tpu.memory_space<vmem>>, vector<1x196x8xf32>
    %get3A_66 = vector.shape_cast %get3A_65 : vector<1x196x8xf32> to vector<196x8xf32>
    %get3A_67 = arith.constant 0 : index
    %get3A_68 = arith.constant 0 : index
    %get3A_69 = arith.constant 0 : index
    %get3A_70 = vector.load %arg2[%get3A_67, %get3A_68, %get3A_69] : memref<1x196x256xf32, #tpu.memory_space<vmem>>, vector<1x196x256xf32>
    %get3A_71 = vector.shape_cast %get3A_70 : vector<1x196x256xf32> to vector<196x256xf32>
    %slice3A = vector.extract_strided_slice %get3A_66 {offsets = [0, 0], sizes = [196, 1], strides = [1, 1]} : vector<196x8xf32> to vector<196x1xf32>
    %mul3A = vector.broadcast %slice3A : vector<196x1xf32> to vector<196x256xf32>
    %mul3A_72 = arith.mulf %get3A_71, %mul3A : vector<196x256xf32>
    %get3A_73 = arith.constant 0 : index
    %get3A_74 = arith.constant 0 : index
    %get3A_75 = arith.constant 0 : index
    %get3A_76 = vector.load %arg3[%get3A_73, %get3A_74, %get3A_75] : memref<1x196x256xf32, #tpu.memory_space<vmem>>, vector<1x196x256xf32>
    %get3A_77 = vector.shape_cast %get3A_76 : vector<1x196x256xf32> to vector<196x256xf32>
    %slice3A_78 = vector.extract_strided_slice %get3A_66 {offsets = [0, 1], sizes = [196, 1], strides = [1, 1]} : vector<196x8xf32> to vector<196x1xf32>
    %mul3A_79 = vector.broadcast %slice3A_78 : vector<196x1xf32> to vector<196x256xf32>
    %mul3A_80 = arith.mulf %get3A_77, %mul3A_79 : vector<196x256xf32>
    %add3A_81 = arith.addf %mul3A_72, %mul3A_80 : vector<196x256xf32>
    %get3A_82 = arith.constant 0 : index
    %get3A_83 = arith.constant 0 : index
    %get3A_84 = arith.constant 0 : index
    %get3A_85 = vector.load %arg4[%get3A_82, %get3A_83, %get3A_84] : memref<1x196x256xf32, #tpu.memory_space<vmem>>, vector<1x196x256xf32>
    %get3A_86 = vector.shape_cast %get3A_85 : vector<1x196x256xf32> to vector<196x256xf32>
    %slice3A_87 = vector.extract_strided_slice %get3A_66 {offsets = [0, 2], sizes = [196, 1], strides = [1, 1]} : vector<196x8xf32> to vector<196x1xf32>
    %mul3A_88 = vector.broadcast %slice3A_87 : vector<196x1xf32> to vector<196x256xf32>
    %mul3A_89 = arith.mulf %get3A_86, %mul3A_88 : vector<196x256xf32>
    %add3A_90 = arith.addf %add3A_81, %mul3A_89 : vector<196x256xf32>
    %get3A_91 = arith.constant 0 : index
    %get3A_92 = arith.constant 0 : index
    %get3A_93 = arith.constant 0 : index
    %get3A_94 = vector.load %arg5[%get3A_91, %get3A_92, %get3A_93] : memref<1x196x256xf32, #tpu.memory_space<vmem>>, vector<1x196x256xf32>
    %get3A_95 = vector.shape_cast %get3A_94 : vector<1x196x256xf32> to vector<196x256xf32>
    %slice3A_96 = vector.extract_strided_slice %get3A_66 {offsets = [0, 3], sizes = [196, 1], strides = [1, 1]} : vector<196x8xf32> to vector<196x1xf32>
    %mul3A_97 = vector.broadcast %slice3A_96 : vector<196x1xf32> to vector<196x256xf32>
    %mul3A_98 = arith.mulf %get3A_95, %mul3A_97 : vector<196x256xf32>
    %add3A_99 = arith.addf %add3A_90, %mul3A_98 : vector<196x256xf32>
    %dot_general3A_100 = arith.constant dense<0.000000e+00> : vector<256x196xf32>
    %dot_general3A_101 = tpu.matmul %add3A_99, %convert_element_type3A_47, %dot_general3A_100 {dimension_numbers = #tpu.dot_dimension_numbers<[0], [0], [1], [1], [0, 1, 1, 1], [], []>, transpose_lhs_hint = false} : vector<196x256xf32>, vector<196x196xf32>, vector<256x196xf32> -> vector<256x196xf32>
    %get3A_102 = arith.constant 0 : index
    %get3A_103 = arith.constant 0 : index
    %get3A_104 = vector.load %arg12[%get3A_102, %get3A_103] : memref<256x416xf32, #tpu.memory_space<vmem>>, vector<256x256xf32>
    %dot_general3A_105 = arith.constant dense<0.000000e+00> : vector<256x196xf32>
    %dot_general3A_106 = tpu.matmul %get3A_104, %dot_general3A_101, %dot_general3A_105 {dimension_numbers = #tpu.dot_dimension_numbers<[1], [0], [0], [1], [0, 0, 1, 1], [], []>, transpose_lhs_hint = false} : vector<256x256xf32>, vector<256x196xf32>, vector<256x196xf32> -> vector<256x196xf32>
    %get3A_107 = arith.constant 0 : index
    %get3A_108 = arith.constant 256 : index
    %get3A_109 = vector.load %arg12[%get3A_107, %get3A_108] : memref<256x416xf32, #tpu.memory_space<vmem>>, vector<256x80xf32>
    %dot_general3A_110 = arith.constant dense<0.000000e+00> : vector<256x196xf32>
    %dot_general3A_111 = tpu.matmul %get3A_109, %add3A_11, %dot_general3A_110 {dimension_numbers = #tpu.dot_dimension_numbers<[1], [0], [0], [1], [0, 0, 1, 1], [], []>, transpose_lhs_hint = false} : vector<256x80xf32>, vector<80x196xf32>, vector<256x196xf32> -> vector<256x196xf32>
    %add3A_112 = arith.addf %dot_general3A_106, %dot_general3A_111 : vector<256x196xf32>
    %get3A_113 = arith.constant 0 : index
    %get3A_114 = arith.constant 336 : index
    %get3A_115 = vector.load %arg12[%get3A_113, %get3A_114] : memref<256x416xf32, #tpu.memory_space<vmem>>, vector<256x80xf32>
    %dot_general3A_116 = arith.constant dense<0.000000e+00> : vector<256x196xf32>
    %dot_general3A_117 = tpu.matmul %get3A_115, %add3A_21, %dot_general3A_116 {dimension_numbers = #tpu.dot_dimension_numbers<[1], [0], [0], [1], [0, 0, 1, 1], [], []>, transpose_lhs_hint = false} : vector<256x80xf32>, vector<80x196xf32>, vector<256x196xf32> -> vector<256x196xf32>
    %add3A_118 = arith.addf %add3A_112, %dot_general3A_117 : vector<256x196xf32>
    %get3A_119 = arith.constant 0 : index
    %get3A_120 = arith.constant 0 : index
    %get3A_121 = vector.load %arg13[%get3A_119, %get3A_120] : memref<256x1xf32, #tpu.memory_space<vmem>>, vector<256x1xf32>
    %add3A_122 = vector.broadcast %get3A_121 : vector<256x1xf32> to vector<256x196xf32>
    %add3A_123 = arith.addf %add3A_118, %add3A_122 : vector<256x196xf32>
    %max3A = arith.constant 0.000000e+00 : f32
    %max3A_124 = vector.broadcast %max3A : f32 to vector<256x196xf32>
    %max3A_125 = arith.maximumf %add3A_123, %max3A_124 : vector<256x196xf32>
    %get3A_126 = arith.constant 0 : index
    %get3A_127 = arith.constant 0 : index
    %get3A_128 = vector.load %arg14[%get3A_126, %get3A_127] : memref<256x416xf32, #tpu.memory_space<vmem>>, vector<256x256xf32>
    %dot_general3A_129 = arith.constant dense<0.000000e+00> : vector<256x196xf32>
    %dot_general3A_130 = tpu.matmul %get3A_128, %max3A_125, %dot_general3A_129 {dimension_numbers = #tpu.dot_dimension_numbers<[1], [0], [0], [1], [0, 0, 1, 1], [], []>, transpose_lhs_hint = false} : vector<256x256xf32>, vector<256x196xf32>, vector<256x196xf32> -> vector<256x196xf32>
    %get3A_131 = arith.constant 0 : index
    %get3A_132 = arith.constant 256 : index
    %get3A_133 = vector.load %arg14[%get3A_131, %get3A_132] : memref<256x416xf32, #tpu.memory_space<vmem>>, vector<256x80xf32>
    %dot_general3A_134 = arith.constant dense<0.000000e+00> : vector<256x196xf32>
    %dot_general3A_135 = tpu.matmul %get3A_133, %add3A_11, %dot_general3A_134 {dimension_numbers = #tpu.dot_dimension_numbers<[1], [0], [0], [1], [0, 0, 1, 1], [], []>, transpose_lhs_hint = false} : vector<256x80xf32>, vector<80x196xf32>, vector<256x196xf32> -> vector<256x196xf32>
    %add3A_136 = arith.addf %dot_general3A_130, %dot_general3A_135 : vector<256x196xf32>
    %get3A_137 = arith.constant 0 : index
    %get3A_138 = arith.constant 336 : index
    %get3A_139 = vector.load %arg14[%get3A_137, %get3A_138] : memref<256x416xf32, #tpu.memory_space<vmem>>, vector<256x80xf32>
    %dot_general3A_140 = arith.constant dense<0.000000e+00> : vector<256x196xf32>
    %dot_general3A_141 = tpu.matmul %get3A_139, %add3A_21, %dot_general3A_140 {dimension_numbers = #tpu.dot_dimension_numbers<[1], [0], [0], [1], [0, 0, 1, 1], [], []>, transpose_lhs_hint = false} : vector<256x80xf32>, vector<80x196xf32>, vector<256x196xf32> -> vector<256x196xf32>
    %add3A_142 = arith.addf %add3A_136, %dot_general3A_141 : vector<256x196xf32>
    %get3A_143 = arith.constant 0 : index
    %get3A_144 = arith.constant 0 : index
    %get3A_145 = vector.load %arg15[%get3A_143, %get3A_144] : memref<256x1xf32, #tpu.memory_space<vmem>>, vector<256x1xf32>
    %add3A_146 = vector.broadcast %get3A_145 : vector<256x1xf32> to vector<256x196xf32>
    %add3A_147 = arith.addf %add3A_142, %add3A_146 : vector<256x196xf32>
    %max3A_148 = arith.constant 0.000000e+00 : f32
    %max3A_149 = vector.broadcast %max3A_148 : f32 to vector<256x196xf32>
    %max3A_150 = arith.maximumf %add3A_147, %max3A_149 : vector<256x196xf32>
    %get3A_151 = arith.constant 0 : index
    %get3A_152 = arith.constant 0 : index
    %get3A_153 = vector.load %arg16[%get3A_151, %get3A_152] : memref<256x416xf32, #tpu.memory_space<vmem>>, vector<256x256xf32>
    %dot_general3A_154 = arith.constant dense<0.000000e+00> : vector<256x196xf32>
    %dot_general3A_155 = tpu.matmul %get3A_153, %max3A_150, %dot_general3A_154 {dimension_numbers = #tpu.dot_dimension_numbers<[1], [0], [0], [1], [0, 0, 1, 1], [], []>, transpose_lhs_hint = false} : vector<256x256xf32>, vector<256x196xf32>, vector<256x196xf32> -> vector<256x196xf32>
    %get3A_156 = arith.constant 0 : index
    %get3A_157 = arith.constant 256 : index
    %get3A_158 = vector.load %arg16[%get3A_156, %get3A_157] : memref<256x416xf32, #tpu.memory_space<vmem>>, vector<256x80xf32>
    %dot_general3A_159 = arith.constant dense<0.000000e+00> : vector<256x196xf32>
    %dot_general3A_160 = tpu.matmul %get3A_158, %add3A_11, %dot_general3A_159 {dimension_numbers = #tpu.dot_dimension_numbers<[1], [0], [0], [1], [0, 0, 1, 1], [], []>, transpose_lhs_hint = false} : vector<256x80xf32>, vector<80x196xf32>, vector<256x196xf32> -> vector<256x196xf32>
    %add3A_161 = arith.addf %dot_general3A_155, %dot_general3A_160 : vector<256x196xf32>
    %get3A_162 = arith.constant 0 : index
    %get3A_163 = arith.constant 336 : index
    %get3A_164 = vector.load %arg16[%get3A_162, %get3A_163] : memref<256x416xf32, #tpu.memory_space<vmem>>, vector<256x80xf32>
    %dot_general3A_165 = arith.constant dense<0.000000e+00> : vector<256x196xf32>
    %dot_general3A_166 = tpu.matmul %get3A_164, %add3A_21, %dot_general3A_165 {dimension_numbers = #tpu.dot_dimension_numbers<[1], [0], [0], [1], [0, 0, 1, 1], [], []>, transpose_lhs_hint = false} : vector<256x80xf32>, vector<80x196xf32>, vector<256x196xf32> -> vector<256x196xf32>
    %add3A_167 = arith.addf %add3A_161, %dot_general3A_166 : vector<256x196xf32>
    %get3A_168 = arith.constant 0 : index
    %get3A_169 = arith.constant 0 : index
    %get3A_170 = vector.load %arg17[%get3A_168, %get3A_169] : memref<256x1xf32, #tpu.memory_space<vmem>>, vector<256x1xf32>
    %add3A_171 = vector.broadcast %get3A_170 : vector<256x1xf32> to vector<256x196xf32>
    %add3A_172 = arith.addf %add3A_167, %add3A_171 : vector<256x196xf32>
    %max3A_173 = arith.constant 0.000000e+00 : f32
    %max3A_174 = vector.broadcast %max3A_173 : f32 to vector<256x196xf32>
    %max3A_175 = arith.maximumf %add3A_172, %max3A_174 : vector<256x196xf32>
    %get3A_176 = arith.constant 0 : index
    %get3A_177 = arith.constant 0 : index
    %get3A_178 = vector.load %arg18[%get3A_176, %get3A_177] : memref<256x416xf32, #tpu.memory_space<vmem>>, vector<256x256xf32>
    %dot_general3A_179 = arith.constant dense<0.000000e+00> : vector<256x196xf32>
    %dot_general3A_180 = tpu.matmul %get3A_178, %max3A_175, %dot_general3A_179 {dimension_numbers = #tpu.dot_dimension_numbers<[1], [0], [0], [1], [0, 0, 1, 1], [], []>, transpose_lhs_hint = false} : vector<256x256xf32>, vector<256x196xf32>, vector<256x196xf32> -> vector<256x196xf32>
    %get3A_181 = arith.constant 0 : index
    %get3A_182 = arith.constant 256 : index
    %get3A_183 = vector.load %arg18[%get3A_181, %get3A_182] : memref<256x416xf32, #tpu.memory_space<vmem>>, vector<256x80xf32>
    %dot_general3A_184 = arith.constant dense<0.000000e+00> : vector<256x196xf32>
    %dot_general3A_185 = tpu.matmul %get3A_183, %add3A_11, %dot_general3A_184 {dimension_numbers = #tpu.dot_dimension_numbers<[1], [0], [0], [1], [0, 0, 1, 1], [], []>, transpose_lhs_hint = false} : vector<256x80xf32>, vector<80x196xf32>, vector<256x196xf32> -> vector<256x196xf32>
    %add3A_186 = arith.addf %dot_general3A_180, %dot_general3A_185 : vector<256x196xf32>
    %get3A_187 = arith.constant 0 : index
    %get3A_188 = arith.constant 336 : index
    %get3A_189 = vector.load %arg18[%get3A_187, %get3A_188] : memref<256x416xf32, #tpu.memory_space<vmem>>, vector<256x80xf32>
    %dot_general3A_190 = arith.constant dense<0.000000e+00> : vector<256x196xf32>
    %dot_general3A_191 = tpu.matmul %get3A_189, %add3A_21, %dot_general3A_190 {dimension_numbers = #tpu.dot_dimension_numbers<[1], [0], [0], [1], [0, 0, 1, 1], [], []>, transpose_lhs_hint = false} : vector<256x80xf32>, vector<80x196xf32>, vector<256x196xf32> -> vector<256x196xf32>
    %add3A_192 = arith.addf %add3A_186, %dot_general3A_191 : vector<256x196xf32>
    %get3A_193 = arith.constant 0 : index
    %get3A_194 = arith.constant 0 : index
    %get3A_195 = vector.load %arg19[%get3A_193, %get3A_194] : memref<256x1xf32, #tpu.memory_space<vmem>>, vector<256x1xf32>
    %add3A_196 = vector.broadcast %get3A_195 : vector<256x1xf32> to vector<256x196xf32>
    %add3A_197 = arith.addf %add3A_192, %add3A_196 : vector<256x196xf32>
    %broadcast_in_dim3A_198 = vector.shape_cast %lt3A_61 : vector<1x196xi1> to vector<1x196xi1>
    %broadcast_in_dim3A_199 = vector.broadcast %broadcast_in_dim3A_198 : vector<1x196xi1> to vector<256x196xi1>
    %select_n3A = arith.select %broadcast_in_dim3A_199, %add3A_197, %get3A_3 : vector<256x196xi1>, vector<256x196xf32>
    %get3A_200 = arith.constant 0 : index
    %get3A_201 = arith.constant 0 : index
    %get3A_202 = vector.load %arg20[%get3A_200, %get3A_201] : memref<256x256xf32, #tpu.memory_space<vmem>>, vector<256x256xf32>
    %dot_general3A_203 = arith.constant dense<0.000000e+00> : vector<256x196xf32>
    %dot_general3A_204 = tpu.matmul %get3A_202, %select_n3A, %dot_general3A_203 {dimension_numbers = #tpu.dot_dimension_numbers<[1], [0], [0], [1], [0, 0, 1, 1], [], []>, transpose_lhs_hint = false} : vector<256x256xf32>, vector<256x196xf32>, vector<256x196xf32> -> vector<256x196xf32>
    %get3A_205 = arith.constant 0 : index
    %get3A_206 = arith.constant 0 : index
    %get3A_207 = vector.load %arg21[%get3A_205, %get3A_206] : memref<256x1xf32, #tpu.memory_space<vmem>>, vector<256x1xf32>
    %add3A_208 = vector.broadcast %get3A_207 : vector<256x1xf32> to vector<256x196xf32>
    %add3A_209 = arith.addf %dot_general3A_204, %add3A_208 : vector<256x196xf32>
    %max3A_210 = arith.constant 0.000000e+00 : f32
    %max3A_211 = vector.broadcast %max3A_210 : f32 to vector<256x196xf32>
    %max3A_212 = arith.maximumf %add3A_209, %max3A_211 : vector<256x196xf32>
    %get3A_213 = arith.constant 0 : index
    %get3A_214 = arith.constant 0 : index
    %get3A_215 = vector.load %arg22[%get3A_213, %get3A_214] : memref<784x196xf32, #tpu.memory_space<vmem>>, vector<784x196xf32>
    %dot_general3A_216 = arith.constant dense<0.000000e+00> : vector<256x784xf32>
    %dot_general3A_217 = tpu.matmul %max3A_212, %get3A_215, %dot_general3A_216 {dimension_numbers = #tpu.dot_dimension_numbers<[1], [1], [0], [0], [0, 0, 1, 0], [], []>, transpose_lhs_hint = false} : vector<256x196xf32>, vector<784x196xf32>, vector<256x784xf32> -> vector<256x784xf32>
    %max3A_218 = arith.constant 0.000000e+00 : f32
    %max3A_219 = vector.broadcast %max3A_218 : f32 to vector<256x784xf32>
    %max3A_220 = arith.maximumf %dot_general3A_217, %max3A_219 : vector<256x784xf32>
    %broadcast_in_dim3A_221 = vector.shape_cast %max3A_220 : vector<256x784xf32> to vector<1x256x784xf32>
    %swap3A_222 = arith.constant 0 : index
    %swap3A_223 = arith.constant 0 : index
    %swap3A_224 = arith.constant 0 : index
    %swap3A_225 = vector.load %arg23[%swap3A_222, %swap3A_223, %swap3A_224] : memref<1x256x784xf32, #tpu.memory_space<vmem>>, vector<1x256x784xf32>
    tpu.vector_store %arg23[%swap3A_222, %swap3A_223, %swap3A_224], %broadcast_in_dim3A_221 {strides = array<i32>} : memref<1x256x784xf32, #tpu.memory_space<vmem>>, vector<1x256x784xf32>,
    return
  }
  func.func @transform_0(%arg0: i32) -> (i32, i32, i32) {
    %c0_i32 = arith.constant 0 : i32
    %c0_i32_0 = arith.constant 0 : i32
    %c0_i32_1 = arith.constant 0 : i32
    return %arg0, %c0_i32, %c0_i32_0 : i32, i32, i32
  }
  func.func @transform_1(%arg0: i32) -> (i32, i32, i32) {
    %c0_i32 = arith.constant 0 : i32
    %c0_i32_0 = arith.constant 0 : i32
    %c0_i32_1 = arith.constant 0 : i32
    return %arg0, %c0_i32, %c0_i32_0 : i32, i32, i32
  }
  func.func @transform_2(%arg0: i32) -> (i32, i32, i32) {
    %c0_i32 = arith.constant 0 : i32
    %c0_i32_0 = arith.constant 0 : i32
    %c0_i32_1 = arith.constant 0 : i32
    return %arg0, %c0_i32, %c0_i32_0 : i32, i32, i32
  }
  func.func @transform_3(%arg0: i32) -> (i32, i32, i32) {
    %c0_i32 = arith.constant 0 : i32
    %c0_i32_0 = arith.constant 0 : i32
    %c0_i32_1 = arith.constant 0 : i32
    return %arg0, %c0_i32, %c0_i32_0 : i32, i32, i32
  }
  func.func @transform_4(%arg0: i32) -> (i32, i32, i32) {
    %c0_i32 = arith.constant 0 : i32
    %c0_i32_0 = arith.constant 0 : i32
    %c0_i32_1 = arith.constant 0 : i32
    return %arg0, %c0_i32, %c0_i32_0 : i32, i32, i32
  }
  func.func @transform_5(%arg0: i32) -> (i32, i32, i32) {
    %c0_i32 = arith.constant 0 : i32
    %c0_i32_0 = arith.constant 0 : i32
    %c0_i32_1 = arith.constant 0 : i32
    return %arg0, %c0_i32, %c0_i32_0 : i32, i32, i32
  }
  func.func @transform_6(%arg0: i32) -> (i32, i32, i32) {
    %c0_i32 = arith.constant 0 : i32
    %c0_i32_0 = arith.constant 0 : i32
    %c0_i32_1 = arith.constant 0 : i32
    return %arg0, %c0_i32, %c0_i32_0 : i32, i32, i32
  }
  func.func @transform_7(%arg0: i32) -> (i32, i32) {
    %c0_i32 = arith.constant 0 : i32
    %c0_i32_0 = arith.constant 0 : i32
    %c0_i32_1 = arith.constant 0 : i32
    return %c0_i32, %c0_i32_0 : i32, i32
  }
  func.func @transform_8(%arg0: i32) -> (i32, i32) {
    %c0_i32 = arith.constant 0 : i32
    %c0_i32_0 = arith.constant 0 : i32
    %c0_i32_1 = arith.constant 0 : i32
    return %c0_i32, %c0_i32_0 : i32, i32
  }
  func.func @transform_9(%arg0: i32) -> (i32, i32) {
    %c0_i32 = arith.constant 0 : i32
    %c0_i32_0 = arith.constant 0 : i32
    %c0_i32_1 = arith.constant 0 : i32
    return %c0_i32, %c0_i32_0 : i32, i32
  }
  func.func @transform_10(%arg0: i32) -> (i32, i32) {
    %c0_i32 = arith.constant 0 : i32
    %c0_i32_0 = arith.constant 0 : i32
    %c0_i32_1 = arith.constant 0 : i32
    return %c0_i32, %c0_i32_0 : i32, i32
  }
  func.func @transform_11(%arg0: i32) -> (i32, i32) {
    %c0_i32 = arith.constant 0 : i32
    %c0_i32_0 = arith.constant 0 : i32
    %c0_i32_1 = arith.constant 0 : i32
    return %c0_i32, %c0_i32_0 : i32, i32
  }
  func.func @transform_12(%arg0: i32) -> (i32, i32) {
    %c0_i32 = arith.constant 0 : i32
    %c0_i32_0 = arith.constant 0 : i32
    %c0_i32_1 = arith.constant 0 : i32
    return %c0_i32, %c0_i32_0 : i32, i32
  }
  func.func @transform_13(%arg0: i32) -> (i32, i32) {
    %c0_i32 = arith.constant 0 : i32
    %c0_i32_0 = arith.constant 0 : i32
    %c0_i32_1 = arith.constant 0 : i32
    return %c0_i32, %c0_i32_0 : i32, i32
  }
  func.func @transform_14(%arg0: i32) -> (i32, i32) {
    %c0_i32 = arith.constant 0 : i32
    %c0_i32_0 = arith.constant 0 : i32
    %c0_i32_1 = arith.constant 0 : i32
    return %c0_i32, %c0_i32_0 : i32, i32
  }
  func.func @transform_15(%arg0: i32) -> (i32, i32) {
    %c0_i32 = arith.constant 0 : i32
    %c0_i32_0 = arith.constant 0 : i32
    %c0_i32_1 = arith.constant 0 : i32
    return %c0_i32, %c0_i32_0 : i32, i32
  }
  func.func @transform_16(%arg0: i32) -> (i32, i32) {
    %c0_i32 = arith.constant 0 : i32
    %c0_i32_0 = arith.constant 0 : i32
    %c0_i32_1 = arith.constant 0 : i32
    return %c0_i32, %c0_i32_0 : i32, i32
  }
  func.func @transform_17(%arg0: i32) -> (i32, i32) {
    %c0_i32 = arith.constant 0 : i32
    %c0_i32_0 = arith.constant 0 : i32
    %c0_i32_1 = arith.constant 0 : i32
    return %c0_i32, %c0_i32_0 : i32, i32
  }
  func.func @transform_18(%arg0: i32) -> (i32, i32) {
    %c0_i32 = arith.constant 0 : i32
    %c0_i32_0 = arith.constant 0 : i32
    %c0_i32_1 = arith.constant 0 : i32
    return %c0_i32, %c0_i32_0 : i32, i32
  }
  func.func @transform_19(%arg0: i32) -> (i32, i32) {
    %c0_i32 = arith.constant 0 : i32
    %c0_i32_0 = arith.constant 0 : i32
    %c0_i32_1 = arith.constant 0 : i32
    return %c0_i32, %c0_i32_0 : i32, i32
  }
  func.func @transform_20(%arg0: i32) -> (i32, i32) {
    %c0_i32 = arith.constant 0 : i32
    %c0_i32_0 = arith.constant 0 : i32
    %c0_i32_1 = arith.constant 0 : i32
    return %c0_i32, %c0_i32_0 : i32, i32
  }
  func.func @transform_21(%arg0: i32) -> (i32, i32) {
    %c0_i32 = arith.constant 0 : i32
    %c0_i32_0 = arith.constant 0 : i32
    %c0_i32_1 = arith.constant 0 : i32
    return %c0_i32, %c0_i32_0 : i32, i32
  }
  func.func @transform_22(%arg0: i32) -> (i32, i32, i32) {
    %c0_i32 = arith.constant 0 : i32
    %c0_i32_0 = arith.constant 0 : i32
    %c0_i32_1 = arith.constant 0 : i32
    return %arg0, %c0_i32, %c0_i32_0 : i32, i32, i32
  }
  func.func @transform_23(%arg0: i32) -> (i32, i32, i32) {
    %c0_i32 = arith.constant 0 : i32
    %c0_i32_0 = arith.constant 0 : i32
    %c0_i32_1 = arith.constant 0 : i32
    return %arg0, %c0_i32, %c0_i32_0 : i32, i32, i32
  }
  func.func @transform_24(%arg0: i32) -> (i32, i32, i32) {
    %c0_i32 = arith.constant 0 : i32
    %c0_i32_0 = arith.constant 0 : i32
    %c0_i32_1 = arith.constant 0 : i32
    return %arg0, %c0_i32, %c0_i32_0 : i32, i32, i32
  }
}

</mosaic_0001>

<sc_bundles>
// kernel: kernel.5.cloned.1.call-start
scs
__scs_entry_jumppad:
0x0: {  	(pc) =	sbr.rel $0x88, $3  }
0x1: {  	(tag) =	ssettag $0x0;
	lr =	simm.s32 $0x1  }
0x2: {  	[smem:$0x3F8D] =	sst lr;
	_ =	strace $0xD0000000  }
0x3: {  	_ = 	snop  }
0x4: {  	_ = 	snop  }
0x5: {  	_ = 	snop  }
0x6: {  	_ = 	snop  }
0x7: {  	_ = 	snop  }
__scs_overlays_trampoline_lowered:
0x8: {  	[smem:$0x3F9C] =	sst s0  }
0x9: {  	[smem:$0x3F9D] =	sst s1  }
0xa: {  	[smem:$0x3F9E] =	sst s2  }
0xb: {  	[smem:$0x3F9F] =	sst s3  }
0xc: {  	[smem:$0x3FA0] =	sst s4  }
0xd: {  	[smem:$0x3FA1] =	sst s5  }
0xe: {  	[smem:$0x3FA2] =	sst s6  }
0xf: {  	[smem:$0x3FA3] =	sst s7  }
0x10: {  	[smem:$0x3FA4] =	sst s8  }
0x11: {  	[smem:$0x3FA5] =	sst s9;
	s0 =	simm.s32 @!p0 $0x0  }
0x12: {  	s1 =	sld [smem:$0x3F8B];
	s0 =	simm.s32 @p0 $0x1  }
0x13: {  	[smem:$0x3FA6] =	sst s0;
	s0 =	simm.s32 @!p1 $0x0  }
0x14: {  	s2 =	sld [smem:$0x3F8A];
	s0 =	simm.s32 @p1 $0x1  }
0x15: {  	[smem:$0x3FA7] =	sst s0;
	s0 =	simm.s32 @!p2 $0x0  }
0x16: {  	s3 =	sld [smem:$0x3FDB];
	s0 =	simm.s32 @p2 $0x1  }
0x17: {  	s4 =	simm.s32 $0x1BF5;
	[smem:$0x3FA9] =	sst s0  }
0x18: {  	s0 =	sld [smem:$0x3F8C];
	_ =	swait.ge [sflag:s4], $0x0  }
0x19: {  	s7 =	sld [smem:$0x3F8D]  }
0x1a: {  	s8 =	sadd.s32 $0xFFFFE003, lr  }
0x1b: {  	s9 =	sadd.s32 $0xFFFFFEF7, lr;
	s5 =	simm.s32 $0xFFFFFFFF;
	p2 =	slt.u32 s8, $0xFFFFF086  }
0x1c: {  	p1 =	slt.u32 s9, $0xF7A;
	s5 =	simm.s32 @!p2 $0x0  }
0x1d: {  	s5 =	simm.s32 @p1 $0x1;
	p0 =	seq.s32 s7, s2  }
0x1e: {  	s7 =	smul.u32 @!p0 $0xF7A, s2;
	p2 =	seq.s32 @!p0 s5, $0x0  }
0x1f: {  	s9 =	smul.u32 $0xF7A, s1;
	s8 =	simm.s32 @!p0 $0x1BF5;
	p2 =	por !p2, p0  }
0x20: {  	[sflag:s8] =	ssyncset.s32 @!p0 $0xFFFFF086;
	s6 =	sadd.s32 @!p0 s3, s7;
	s7 =	simm.s32 @!p0 $0x108  }
0x21: {  	s3 =	sadd.s32 s3, s9;
	s6 =	sadd.s32 @!p0 $0x88, s6;
	s7 =	simm.s32 @p2 $0x1082  }
0x22: {  	[simem:s7], [sflag:s8] =	dma.local @!p0 [hbm:s6], $0xF7A  }
0x23: {  	s9 =	sor.u32 $0xD0000000, s2;
	s6 =	simm.s32 $0x108;
	_ =	swait.ge @!p0 [sflag:s8], $0x0  }
0x24: {  	s3 =	sadd.s32 $0x88, s3;
	s6 =	simm.s32 @!p1 $0x1082;
	[sflag:s4] =	ssyncset.s32 $0xFFFFF086  }
0x25: {  	[simem:s6], [sflag:s4] =	dma.local [hbm:s3], $0xF7A  }
0x26: {  	[smem:$0x3F8D] =	sst s1;
	(tag) =	ssettag s2;
	_ =	strace s9  }
0x27: {  	s1 =	sld [smem:$0x3F9D]  }
0x28: {  	s2 =	sld [smem:$0x3F9E]  }
0x29: {  	s4 =	sld [smem:$0x3FA0]  }
0x2a: {  	p0 =	seq.s32 s5, $0x0;
	s5 =	sld [smem:$0x3FA1]  }
0x2b: {  	s6 =	sld [smem:$0x3FA2]  }
0x2c: {  	s7 =	sld [smem:$0x3FA3]  }
0x2d: {  	s3 =	simm.s32 $0x108;
	s8 =	sld [smem:$0x3FA4]  }
0x2e: {  	s3 =	simm.s32 @!p0 $0x1082;
	s9 =	sld [smem:$0x3FA5]  }
0x2f: {  	lr =	sadd.s32 s0, s3;
	s0 =	sld [smem:$0x3F9C]  }
0x30: {  	s3 =	sld [smem:$0x3F9F]  }
0x31: {  	[smem:$0x3FA8] =	sst s10  }
0x32: {  	s10 =	sld [smem:$0x3FA6];
	_ =	sdelay $0x3  }
0x33: {  	p0 =	seq.s32 s10, $0x1;
	s10 =	sld [smem:$0x3FA8];
	_ =	sdelay $0x3  }
0x34: {  	[smem:$0x3FA8] =	sst s10  }
0x35: {  	s10 =	sld [smem:$0x3FA7];
	_ =	sdelay $0x3  }
0x36: {  	p1 =	seq.s32 s10, $0x1;
	s10 =	sld [smem:$0x3FA8];
	_ =	sdelay $0x3  }
0x37: {  	[smem:$0x3FA8] =	sst s10  }
0x38: {  	s10 =	sld [smem:$0x3FA9]  }
0x39: {  	_ = 	snop;
	(pc) =	sbr.ind lr, $3  }
0x3a: {  	_ = 	snop  }
0x3b: {  	_ = 	snop  }
0x3c: {  	p2 =	seq.s32 s10, $0x1;
	s10 =	sld [smem:$0x3FA8]  }
0x3d: {  	_ =	shalt  }
0x3e: {  	_ =	shalt  }
0x3f: {  	_ =	shalt  }
0x40: {  	_ =	shalt  }
0x41: {  	_ =	shalt  }
0x42: {  	_ =	shalt  }
0x43: {  	_ =	shalt  }
0x44: {  	_ =	shalt  }
0x45: {  	_ =	shalt  }
0x46: {  	_ =	shalt  }
0x47: {  	_ =	shalt  }
0x48: {  	_ =	shalt  }
0x49: {  	_ =	shalt  }
0x4a: {  	_ =	shalt  }
0x4b: {  	_ =	shalt  }
0x4c: {  	_ =	shalt  }
0x4d: {  	_ =	shalt  }
0x4e: {  	_ =	shalt  }
0x4f: {  	_ =	shalt  }
0x50: {  	_ =	shalt  }
0x51: {  	_ =	shalt  }
0x52: {  	_ =	shalt  }
0x53: {  	_ =	shalt  }
0x54: {  	_ =	shalt  }
0x55: {  	_ =	shalt  }
0x56: {  	_ =	shalt  }
0x57: {  	_ =	shalt  }
0x58: {  	_ =	shalt  }
0x59: {  	_ =	shalt  }
0x5a: {  	_ =	shalt  }
0x5b: {  	_ =	shalt  }
0x5c: {  	_ =	shalt  }
0x5d: {  	_ =	shalt  }
0x5e: {  	_ =	shalt  }
0x5f: {  	_ =	shalt  }
0x60: {  	_ =	shalt  }
0x61: {  	_ =	shalt  }
0x62: {  	_ =	shalt  }
0x63: {  	_ =	shalt  }
0x64: {  	_ =	shalt  }
0x65: {  	_ =	shalt  }
0x66: {  	_ =	shalt  }
0x67: {  	_ =	shalt  }
0x68: {  	_ =	shalt  }
0x69: {  	_ =	shalt  }
0x6a: {  	_ =	shalt  }
0x6b: {  	_ =	shalt  }
0x6c: {  	_ =	shalt  }
0x6d: {  	_ =	shalt  }
0x6e: {  	_ =	shalt  }
0x6f: {  	_ =	shalt  }
0x70: {  	_ =	shalt  }
0x71: {  	_ =	shalt  }
0x72: {  	_ =	shalt  }
0x73: {  	_ =	shalt  }
0x74: {  	_ =	shalt  }
0x75: {  	_ =	shalt  }
0x76: {  	_ =	shalt  }
0x77: {  	_ =	shalt  }
0x78: {  	_ =	shalt  }
0x79: {  	_ =	shalt  }
0x7a: {  	_ =	shalt  }
0x7b: {  	_ =	shalt  }
0x7c: {  	_ =	shalt  }
0x7d: {  	_ =	shalt  }
0x7e: {  	_ =	shalt  }
0x7f: {  	_ =	shalt  }
0x80: {  	_ =	shalt  }
0x81: {  	_ =	shalt  }
0x82: {  	_ =	shalt  }
0x83: {  	_ =	shalt  }
0x84: {  	_ =	shalt  }
0x85: {  	_ =	shalt  }
0x86: {  	_ =	shalt  }
0x87: {  	_ =	shalt  }
.Lfunc_end0:
.L_simem_size_0:
called_computation_lowered:
.L_overlay_start_0:
0x88: {  	s2 =	sld [smem:$0x3FD9]  }
0x89: {  	s3 =	sld [smem:$0x3FFE];
	_ =	sdelay $0x1  }
0x8a: {  	s1 =	srdreg.scid  }
0x8b: {  	s0 =	sand.u32 $0x1, s1  }
0x8c: {  	s14 =	sshll.u32 s0, $0xA;
	s2 =	sadd.s32 s3, s2  }
0x8d: {  	s2 =	sadd.s32 s2, s14  }
0x8e: {  	[smem:$0x3FB4] =	sst s2  }
0x8f: {  	_ = 	snop  }
0x90: {  	s2 =	sld [smem:$0x3FD0];
	_ =	sdelay $0x2  }
0x91: {  	s15 =	simm.s32 $0xA;
	s4 =	simm.s32 $0x10  }
0x92: {  	[smem:s4], [sflag:s15] =	dma.local [hbm:s2], $0x1  }
0x93: {  	_ =	swait.eq [sflag:s15], $0x1  }
0x94: {  	[sflag:s15] =	ssyncset.done $0x0  }
0x95: {  	s16 =	sld [smem:$0x10];
	[sflag:s15] =	ssyncadd.s32 $0xFFFFFFFF  }
0x96: {  	s17 =	sld [smem:$0x11];
	(tm) =	ssettm $0x1  }
0x97: {  	s18 =	sld [smem:$0x3FFB];
	_ =	sdelay $0x3  }
0x98: {  	_ =	strace s18  }
0x99: {  	s4 =	sld [smem:$0x3FFC];
	_ =	sdelay $0x3  }
0x9a: {  	_ =	strace s4  }
0x9b: {  	s4 =	sld [smem:$0x3FFD];
	_ =	sdelay $0x3  }
0x9c: {  	_ =	strace s4  }
0x9d: {  	_ =	strace $0x8FFFFFFF  }
0x9e: {  	s19 =	sld [smem:$0x3FDB];
	_ =	sdelay $0x1  }
0x9f: {  	s5 =	simm.s32 $_scs_section_size  }
0xa0: {  	s6 =	simm.s32 $_size__tile_overlayer_lowered;
	s7 =	simm.s32 $_tile_overlayer_lowered  }
0xa1: {  	s22 =	simm.s32 $0x1BFF;
	s21 =	sshll.u32 s7, $0x1;
	s4 =	sadd.s32 s5, s19  }
0xa2: {  	s8 =	simm.s32 $0x0;
	s20 =	sshll.u32 s6, $0x1;
	s6 =	sadd.s32 s21, s4  }
0xa3: {  	[timem:s8], [sflag:s22] =	dma.local [hbm:s6], s20  }
0xa4: {  	_ =	swait.ge [sflag:s22], s20  }
0xa5: {  	s5 =	ssub.s32 $0x0, s20;
	[sflag:s22] =	ssyncset.done $0x0  }
0xa6: {  	[sflag:s22] =	ssyncadd.s32 s5;
	_ =	sdelay $0x1  }
0xa7: {  	s23 =	simm.s32 $0x1B8B  }
0xa8: {  	_ =	swait.ge [sflag:s23], $0x1  }
0xa9: {  	[sflag:s23] =	ssyncset.done $0x0  }
0xaa: {  	s25 =	simm.s32 $0x1B8E;
	s24 =	sld [smem:$0x3FFE];
	[sflag:s23] =	ssyncadd.s32 $0xFFFFFFFF  }
0xab: {  	s26 =	simm.s32 $execute0_lowered;
	[smem:$0x3FD2] =	sst s25  }
0xac: {  	s6 =	sshll.u32 s26, $0x1;
	_ =	strace $0x80000046;
	[dreg:$0x1] =	wrdreg $0xFFFFFFFF  }
0xad: {  	s28 =	simm.s32 $_size_execute0_lowered;
	s4 =	sadd.s32 s4, s6;
	[dreg:$0x0] =	wrdreg $0x0  }
0xae: {  	s6 =	sshll.u32 s28, $0x1;
	[dreg:$0x2] =	wrdreg s4  }
0xaf: {  	[dreg:$0x3] =	wrdreg s6  }
0xb0: {  	[dreg:$0x4] =	wrdreg $0xC0  }
0xb1: {  	_ =	task [dreg:s8], $0x5FFFF  }
0xb2: {  	[dreg:$0x1] =	wrdreg $0xFFFFFFFF  }
0xb3: {  	[dreg:$0x0] =	wrdreg $0x60  }
0xb4: {  	[dreg:$0x2] =	wrdreg s24  }
0xb5: {  	[dreg:$0x3] =	wrdreg s16  }
0xb6: {  	[dreg:$0x4] =	wrdreg s17  }
0xb7: {  	[dreg:$0x5] =	wrdreg $0x9  }
0xb8: {  	_ =	task.clear_ibuf [dreg:s8], $0x6FFFF;
	_ =	strace $0x90000046  }
0xb9: {  	s29 =	simm.s32 $0x9;
	_ =	strace $0x80000048  }
0xba: {  	_ =	swait.ge [sflag:s29], $0x1  }
0xbb: {  	[sflag:s29] =	ssyncadd.s32 $0xFFFFFFFF  }
0xbc: {  	_ =	strace $0x90000048  }
0xbd: {  	_ =	sfence  }
0xbe: {  	s30 =	sld [smem:$0x0];
	_ =	sdelay $0x2  }
0xbf: {  	s31 =	sshll.u32 s1, $0xD;
	s1 =	sshrl.u32 s1, $0x2  }
0xc0: {  	s3 =	sand.u32 $0x4000, s31;
	s1 =	sadd.s32 s1, s30  }
0xc1: {  	s0 =	sor.u32 s3, s0;
	s1 =	sshll.u32 s1, $0x11  }
0xc2: {  	s0 =	sor.u32 s1, s0  }
0xc3: {  	s0 =	sadd.s32 $0x8F2B, s0  }
0xc4: {  	[sflag:s0] =	ssyncadd.remote.s32 $0x1  }
0xc5: {  	_ =	sfence.sel $0xFFFF  }
0xc6: {  	[dreg:$0x0] =	wrdreg $0xFFFFFFFF;
	(pc) =	sbr.abs _section_cstart, $3  }
0xc7: {  	[dreg:$0x1] =	wrdreg $0xFFFFFFFF  }
0xc8: {  	_ =	task.clear_ibuf [dreg:s8], $0x2FFFF;
	_ =	strace $0x9FFFFFFF  }
0xc9: {  	(tm) =	ssettm $0x7FFFFFFF  }
tec
execute0_lowered:
.L_overlay_start_1:
0x0: {  	(tag) =	ssettag $0x1  }
0x1: {  	s1 =	srdreg.scid;
	s4 =	rddreg [dreg:$0x0]  }
0x2: {  	s0 =	stileid.u32;
	s6 =	rddreg [dreg:$0x1]  }
0x3: {  	s8 =	rddreg [dreg:$0x2];
	s2 =	simm.s32 $0x0;
	s12 =	simm.s32 $0x1080  }
0x4: {  	s13 =	simm.s32 $0x1880;
	s14 =	simm.s32 $0x2080;
	s15 =	simm.s32 $0x2880  }
0x5: {  	s16 =	simm.s32 $0x3080;
	s17 =	simm.s32 $0x3880;
	s18 =	simm.s32 $0x4080  }
0x6: {  	s19 =	simm.s32 $0x4880;
	s20 =	simm.s32 $0x5080;
	s21 =	simm.s32 $0x5880  }
0x7: {  	s22 =	simm.s32 $0x6080;
	s23 =	simm.s32 $0x6880;
	s3 =	smul.u32 $0x1880, s0  }
0x8: {  	s24 =	simm.s32 $0x1;
	s5 =	sand.u32 $0x1, s1;
	s9 =	smul.u32 $0x31000, s0  }
0x9: {  	s25 =	simm.s32 $0x0;
	[smem:$0x7FF] =	sst s2;
	s10 =	smul.u32 $0x18800, s5  }
0xa: {  	s7 =	smul.u32 $0xC40, s5;
	s5 =	ssub.s32 $0x2, s5;
	s9 =	sadd.s32 s9, s4  }
0xb: {  	_ =	strace $0x80000047;
	s11 =	sshrl.u32 s5, $0x1;
	s9 =	sadd.s32 s10, s9  }
0xc: {  	s7 =	sadd.s32 s7, s3;
	s3 =	sadd.s32 $0x4E00, s4;
	s10 =	sadd.s32 $0x10B200, s9  }
0xd: {  	s5 =	ssub.s32 s5, s11;
	s29 =	sadd.s32 $0x41B200, s9;
	[dreg:$0x4] =	wrdreg s10  }
0xe: {  	s11 =	simm.s32 $0x880;
	s30 =	sadd.s32 $0x72B200, s9;
	[dreg:$0x5] =	wrdreg s29  }
0xf: {  	s7 =	sshrl.u32 s7, $0x3;
	s9 =	sadd.s32 $0xA3B200, s9;
	[dreg:$0x6] =	wrdreg s30  }
0x10: {  	v2 =	vlaneseq.u32;
	s31 =	sadd.s32 s7, s4;
	s4 =	smax.u32 s5, $0x1;
	[dreg:$0x7] =	wrdreg s9  }
0x11: {  	vm0 =	vmmov $0xffff;
	v1 =	vshrl.u32 v2, $0x3;
	s5 =	sadd.s32 s7, s8;
	s6 =	sadd.s32 s7, s6;
	s9 =	simm.s32 $0x2  }
0x12: {  	v0 =	vand.u32 $0x7, v2;
	v2 =	vor.u32 $0x8, v2;
	v1 =	vmul.u32 $0x8, v1;
	s10 =	simm.s32 $0x80;
	s7 =	sadd.s32 $0x108000, s31;
	s8 =	sadd.s32 $0x104E00, s31  }
.LBB2_1:
0x13: {  	s26 =	smov.u32 s8;
	s28 =	smov.u32 s7  }
0x14: {  	s29 =	smov.u32 s6;
	s30 =	smov.u32 s5;
	s31 =	simm.s32 $0x0  }
.LBB2_2:
0x15: {  	[tilespmem:s2], [sflag:$0x2] =	stream.linear.gather [hbm4b:s26+s2], $0x70, $0x38;
	[tilespmem:$0x7080] =	vst v63  }
0x16: {  	_ =	swait.ge [sflag:s9], $0x70  }
0x17: {  	[sflag:s9] =	ssyncset.done $0x0  }
0x18: {  	[sflag:s9] =	ssyncadd.s32 $0xFFFFFF90  }
0x19: {  	v3 =	vld [tilespmem:$0x0];
	_ =	sdelay $0x4  }
0x1a: {  	v4 =	vshll.u32 v3, $0x1  }
0x1b: {  	v3 =	vand.u32 $0x7, v3;
	v4 =	vand.u32 $0xFFFFFFF0, v4  }
0x1c: {  	v3 =	vor.u32 v3, v4  }
0x1d: {  	v4 =	vperm.xlane v3, v0;
	_ =	sdelay $0x1  }
0x1e: {  	v3 =	vperm.xlane v3, v2;
	v4 =	vadd.s32 v1, v4;
	_ =	sdelay $0x1  }
0x1f: {  	v3 =	vadd.s32 v1, v3;
	_ =	sdelay $0x2  }
0x20: {  	[tilespmem:s10], [sflag:$0x1] =	stream.indirect_vreg.gather [hbm4b:s3+s2], $0x80, v4, vm0, $0xb8;
	[tilespmem:$0x7080] =	vst v63  }
0x21: {  	_ = 	snop  }
0x22: {  	[tilespmem:s11], [sflag:$0x1] =	stream.indirect_vreg.gather [hbm4b:s3+s2], $0x80, v3, vm0, $0xb8;
	[tilespmem:$0x7080] =	vst v63  }
0x23: {  	v3 =	vld [tilespmem:$0x10];
	_ =	sdelay $0x4  }
0x24: {  	v37 =	vshll.u32 v3, $0x1  }
0x25: {  	v3 =	vand.u32 $0x7, v3;
	v4 =	vand.u32 $0xFFFFFFF0, v37  }
0x26: {  	v3 =	vor.u32 v3, v4  }
0x27: {  	v4 =	vperm.xlane v3, v0;
	_ =	sdelay $0x1  }
0x28: {  	v3 =	vperm.xlane v3, v2;
	v4 =	vadd.s32 v1, v4;
	_ =	sdelay $0x1  }
0x29: {  	v3 =	vadd.s32 v1, v3;
	_ =	sdelay $0x2  }
0x2a: {  	[tilespmem:s12], [sflag:$0x1] =	stream.indirect_vreg.gather [hbm4b:s3+s2], $0x80, v4, vm0, $0xb8;
	[tilespmem:$0x7080] =	vst v63  }
0x2b: {  	_ = 	snop  }
0x2c: {  	[tilespmem:s13], [sflag:$0x1] =	stream.indirect_vreg.gather [hbm4b:s3+s2], $0x80, v3, vm0, $0xb8;
	[tilespmem:$0x7080] =	vst v63  }
0x2d: {  	v3 =	vld [tilespmem:$0x20];
	_ =	sdelay $0x4  }
0x2e: {  	v38 =	vshll.u32 v3, $0x1  }
0x2f: {  	v3 =	vand.u32 $0x7, v3;
	v4 =	vand.u32 $0xFFFFFFF0, v38  }
0x30: {  	v3 =	vor.u32 v3, v4  }
0x31: {  	v4 =	vperm.xlane v3, v0;
	_ =	sdelay $0x1  }
0x32: {  	v3 =	vperm.xlane v3, v2;
	v4 =	vadd.s32 v1, v4;
	_ =	sdelay $0x1  }
0x33: {  	v3 =	vadd.s32 v1, v3;
	_ =	sdelay $0x2  }
0x34: {  	[tilespmem:s14], [sflag:$0x1] =	stream.indirect_vreg.gather [hbm4b:s3+s2], $0x80, v4, vm0, $0xb8;
	[tilespmem:$0x7080] =	vst v63  }
0x35: {  	_ = 	snop  }
0x36: {  	[tilespmem:s15], [sflag:$0x1] =	stream.indirect_vreg.gather [hbm4b:s3+s2], $0x80, v3, vm0, $0xb8;
	[tilespmem:$0x7080] =	vst v63  }
0x37: {  	v3 =	vld [tilespmem:$0x30];
	_ =	sdelay $0x4  }
0x38: {  	v39 =	vshll.u32 v3, $0x1  }
0x39: {  	v3 =	vand.u32 $0x7, v3;
	v4 =	vand.u32 $0xFFFFFFF0, v39  }
0x3a: {  	v3 =	vor.u32 v3, v4  }
0x3b: {  	v4 =	vperm.xlane v3, v0;
	_ =	sdelay $0x1  }
0x3c: {  	v3 =	vperm.xlane v3, v2;
	v4 =	vadd.s32 v1, v4;
	_ =	sdelay $0x1  }
0x3d: {  	v3 =	vadd.s32 v1, v3;
	_ =	sdelay $0x2  }
0x3e: {  	[tilespmem:s16], [sflag:$0x1] =	stream.indirect_vreg.gather [hbm4b:s3+s2], $0x80, v4, vm0, $0xb8;
	[tilespmem:$0x7080] =	vst v63  }
0x3f: {  	_ = 	snop  }
0x40: {  	[tilespmem:s17], [sflag:$0x1] =	stream.indirect_vreg.gather [hbm4b:s3+s2], $0x80, v3, vm0, $0xb8;
	[tilespmem:$0x7080] =	vst v63  }
0x41: {  	v3 =	vld [tilespmem:$0x40];
	_ =	sdelay $0x4  }
0x42: {  	v40 =	vshll.u32 v3, $0x1  }
0x43: {  	v3 =	vand.u32 $0x7, v3;
	v4 =	vand.u32 $0xFFFFFFF0, v40  }
0x44: {  	v3 =	vor.u32 v3, v4  }
0x45: {  	v4 =	vperm.xlane v3, v0;
	_ =	sdelay $0x1  }
0x46: {  	v3 =	vperm.xlane v3, v2;
	v4 =	vadd.s32 v1, v4;
	_ =	sdelay $0x1  }
0x47: {  	v3 =	vadd.s32 v1, v3;
	_ =	sdelay $0x2  }
0x48: {  	[tilespmem:s18], [sflag:$0x1] =	stream.indirect_vreg.gather [hbm4b:s3+s2], $0x80, v4, vm0, $0xb8;
	[tilespmem:$0x7080] =	vst v63  }
0x49: {  	_ = 	snop  }
0x4a: {  	[tilespmem:s19], [sflag:$0x1] =	stream.indirect_vreg.gather [hbm4b:s3+s2], $0x80, v3, vm0, $0xb8;
	[tilespmem:$0x7080] =	vst v63  }
0x4b: {  	v3 =	vld [tilespmem:$0x50];
	_ =	sdelay $0x4  }
0x4c: {  	v41 =	vshll.u32 v3, $0x1  }
0x4d: {  	v3 =	vand.u32 $0x7, v3;
	v4 =	vand.u32 $0xFFFFFFF0, v41  }
0x4e: {  	v3 =	vor.u32 v3, v4  }
0x4f: {  	v4 =	vperm.xlane v3, v0;
	_ =	sdelay $0x1  }
0x50: {  	v3 =	vperm.xlane v3, v2;
	v4 =	vadd.s32 v1, v4;
	_ =	sdelay $0x1  }
0x51: {  	v3 =	vadd.s32 v1, v3;
	_ =	sdelay $0x2  }
0x52: {  	[tilespmem:s20], [sflag:$0x1] =	stream.indirect_vreg.gather [hbm4b:s3+s2], $0x80, v4, vm0, $0xb8;
	[tilespmem:$0x7080] =	vst v63  }
0x53: {  	_ = 	snop  }
0x54: {  	[tilespmem:s21], [sflag:$0x1] =	stream.indirect_vreg.gather [hbm4b:s3+s2], $0x80, v3, vm0, $0xb8;
	[tilespmem:$0x7080] =	vst v63  }
0x55: {  	v3 =	vld [tilespmem:$0x60];
	_ =	sdelay $0x4  }
0x56: {  	v42 =	vshll.u32 v3, $0x1  }
0x57: {  	v3 =	vand.u32 $0x7, v3;
	v4 =	vand.u32 $0xFFFFFFF0, v42  }
0x58: {  	v3 =	vor.u32 v3, v4  }
0x59: {  	v4 =	vperm.xlane v3, v0;
	_ =	sdelay $0x1  }
0x5a: {  	v3 =	vperm.xlane v3, v2;
	v4 =	vadd.s32 v1, v4;
	_ =	sdelay $0x1  }
0x5b: {  	v3 =	vadd.s32 v1, v3;
	_ =	sdelay $0x2  }
0x5c: {  	[tilespmem:s22], [sflag:$0x1] =	stream.indirect_vreg.gather [hbm4b:s3+s2], $0x80, v4, vm0, $0xb8;
	[tilespmem:$0x7080] =	vst v63  }
0x5d: {  	_ = 	snop  }
0x5e: {  	[tilespmem:s23], [sflag:$0x1] =	stream.indirect_vreg.gather [hbm4b:s3+s2], $0x80, v3, vm0, $0xb8;
	[tilespmem:$0x7080] =	vst v63  }
0x5f: {  	_ =	swait.ge [sflag:s24], $0x7000  }
0x60: {  	s1 =	rddreg [dreg:$0x4];
	[sflag:s24] =	ssyncset.done $0x0  }
0x61: {  	[sflag:s24] =	ssyncadd.s32 $0xFFFF9000;
	s1 =	sadd.s32 s31, s1  }
0x62: {  	[hbm4b:s1+s2] =	stream.linear.scatter [tilespmem:s10], [sflag:$0x2], $0x7000, $0x38;
	[tilespmem:$0x7080] =	vst v63  }
0x63: {  	_ =	swait.ge [sflag:s9], $0x7000  }
0x64: {  	[sflag:s9] =	ssyncset.done $0x0  }
0x65: {  	[sflag:s9] =	ssyncadd.s32 $0xFFFF9000  }
0x66: {  	[tilespmem:s2], [sflag:$0x2] =	stream.linear.gather [hbm4b:s28+s2], $0x70, $0x38;
	[tilespmem:$0x7080] =	vst v63  }
0x67: {  	_ =	swait.ge [sflag:s9], $0x70  }
0x68: {  	[sflag:s9] =	ssyncset.done $0x0  }
0x69: {  	[sflag:s9] =	ssyncadd.s32 $0xFFFFFF90  }
0x6a: {  	v3 =	vld [tilespmem:$0x0];
	_ =	sdelay $0x4  }
0x6b: {  	v43 =	vshll.u32 v3, $0x1  }
0x6c: {  	v3 =	vand.u32 $0x7, v3;
	v4 =	vand.u32 $0xFFFFFFF0, v43  }
0x6d: {  	v3 =	vor.u32 v3, v4  }
0x6e: {  	v4 =	vperm.xlane v3, v0;
	_ =	sdelay $0x1  }
0x6f: {  	v3 =	vperm.xlane v3, v2;
	v4 =	vadd.s32 v1, v4;
	_ =	sdelay $0x1  }
0x70: {  	v3 =	vadd.s32 v1, v3;
	_ =	sdelay $0x2  }
0x71: {  	[tilespmem:s10], [sflag:$0x1] =	stream.indirect_vreg.gather [hbm4b:s3+s2], $0x80, v4, vm0, $0xb8;
	[tilespmem:$0x7080] =	vst v63  }
0x72: {  	_ = 	snop  }
0x73: {  	[tilespmem:s11], [sflag:$0x1] =	stream.indirect_vreg.gather [hbm4b:s3+s2], $0x80, v3, vm0, $0xb8;
	[tilespmem:$0x7080] =	vst v63  }
0x74: {  	v3 =	vld [tilespmem:$0x10];
	_ =	sdelay $0x4  }
0x75: {  	v44 =	vshll.u32 v3, $0x1  }
0x76: {  	v3 =	vand.u32 $0x7, v3;
	v4 =	vand.u32 $0xFFFFFFF0, v44  }
0x77: {  	v3 =	vor.u32 v3, v4  }
0x78: {  	v4 =	vperm.xlane v3, v0;
	_ =	sdelay $0x1  }
0x79: {  	v3 =	vperm.xlane v3, v2;
	v4 =	vadd.s32 v1, v4;
	_ =	sdelay $0x1  }
0x7a: {  	v3 =	vadd.s32 v1, v3;
	_ =	sdelay $0x2  }
0x7b: {  	[tilespmem:s12], [sflag:$0x1] =	stream.indirect_vreg.gather [hbm4b:s3+s2], $0x80, v4, vm0, $0xb8;
	[tilespmem:$0x7080] =	vst v63  }
0x7c: {  	_ = 	snop  }
0x7d: {  	[tilespmem:s13], [sflag:$0x1] =	stream.indirect_vreg.gather [hbm4b:s3+s2], $0x80, v3, vm0, $0xb8;
	[tilespmem:$0x7080] =	vst v63  }
0x7e: {  	v3 =	vld [tilespmem:$0x20];
	_ =	sdelay $0x4  }
0x7f: {  	v45 =	vshll.u32 v3, $0x1  }
0x80: {  	v3 =	vand.u32 $0x7, v3;
	v4 =	vand.u32 $0xFFFFFFF0, v45  }
0x81: {  	v3 =	vor.u32 v3, v4  }
0x82: {  	v4 =	vperm.xlane v3, v0;
	_ =	sdelay $0x1  }
0x83: {  	v3 =	vperm.xlane v3, v2;
	v4 =	vadd.s32 v1, v4;
	_ =	sdelay $0x1  }
0x84: {  	v3 =	vadd.s32 v1, v3;
	_ =	sdelay $0x2  }
0x85: {  	[tilespmem:s14], [sflag:$0x1] =	stream.indirect_vreg.gather [hbm4b:s3+s2], $0x80, v4, vm0, $0xb8;
	[tilespmem:$0x7080] =	vst v63  }
0x86: {  	_ = 	snop  }
0x87: {  	[tilespmem:s15], [sflag:$0x1] =	stream.indirect_vreg.gather [hbm4b:s3+s2], $0x80, v3, vm0, $0xb8;
	[tilespmem:$0x7080] =	vst v63  }
0x88: {  	v3 =	vld [tilespmem:$0x30];
	_ =	sdelay $0x4  }
0x89: {  	v46 =	vshll.u32 v3, $0x1  }
0x8a: {  	v3 =	vand.u32 $0x7, v3;
	v4 =	vand.u32 $0xFFFFFFF0, v46  }
0x8b: {  	v3 =	vor.u32 v3, v4  }
0x8c: {  	v4 =	vperm.xlane v3, v0;
	_ =	sdelay $0x1  }
0x8d: {  	v3 =	vperm.xlane v3, v2;
	v4 =	vadd.s32 v1, v4;
	_ =	sdelay $0x1  }
0x8e: {  	v3 =	vadd.s32 v1, v3;
	_ =	sdelay $0x2  }
0x8f: {  	[tilespmem:s16], [sflag:$0x1] =	stream.indirect_vreg.gather [hbm4b:s3+s2], $0x80, v4, vm0, $0xb8;
	[tilespmem:$0x7080] =	vst v63  }
0x90: {  	_ = 	snop  }
0x91: {  	[tilespmem:s17], [sflag:$0x1] =	stream.indirect_vreg.gather [hbm4b:s3+s2], $0x80, v3, vm0, $0xb8;
	[tilespmem:$0x7080] =	vst v63  }
0x92: {  	v3 =	vld [tilespmem:$0x40];
	_ =	sdelay $0x4  }
0x93: {  	v47 =	vshll.u32 v3, $0x1  }
0x94: {  	v3 =	vand.u32 $0x7, v3;
	v4 =	vand.u32 $0xFFFFFFF0, v47  }
0x95: {  	v3 =	vor.u32 v3, v4  }
0x96: {  	v4 =	vperm.xlane v3, v0;
	_ =	sdelay $0x1  }
0x97: {  	v3 =	vperm.xlane v3, v2;
	v4 =	vadd.s32 v1, v4;
	_ =	sdelay $0x1  }
0x98: {  	v3 =	vadd.s32 v1, v3;
	_ =	sdelay $0x2  }
0x99: {  	[tilespmem:s18], [sflag:$0x1] =	stream.indirect_vreg.gather [hbm4b:s3+s2], $0x80, v4, vm0, $0xb8;
	[tilespmem:$0x7080] =	vst v63  }
0x9a: {  	_ = 	snop  }
0x9b: {  	[tilespmem:s19], [sflag:$0x1] =	stream.indirect_vreg.gather [hbm4b:s3+s2], $0x80, v3, vm0, $0xb8;
	[tilespmem:$0x7080] =	vst v63  }
0x9c: {  	v3 =	vld [tilespmem:$0x50];
	_ =	sdelay $0x4  }
0x9d: {  	v48 =	vshll.u32 v3, $0x1  }
0x9e: {  	v3 =	vand.u32 $0x7, v3;
	v4 =	vand.u32 $0xFFFFFFF0, v48  }
0x9f: {  	v3 =	vor.u32 v3, v4  }
0xa0: {  	v4 =	vperm.xlane v3, v0;
	_ =	sdelay $0x1  }
0xa1: {  	v3 =	vperm.xlane v3, v2;
	v4 =	vadd.s32 v1, v4;
	_ =	sdelay $0x1  }
0xa2: {  	v3 =	vadd.s32 v1, v3;
	_ =	sdelay $0x2  }
0xa3: {  	[tilespmem:s20], [sflag:$0x1] =	stream.indirect_vreg.gather [hbm4b:s3+s2], $0x80, v4, vm0, $0xb8;
	[tilespmem:$0x7080] =	vst v63  }
0xa4: {  	_ = 	snop  }
0xa5: {  	[tilespmem:s21], [sflag:$0x1] =	stream.indirect_vreg.gather [hbm4b:s3+s2], $0x80, v3, vm0, $0xb8;
	[tilespmem:$0x7080] =	vst v63  }
0xa6: {  	v3 =	vld [tilespmem:$0x60];
	_ =	sdelay $0x4  }
0xa7: {  	v49 =	vshll.u32 v3, $0x1  }
0xa8: {  	v3 =	vand.u32 $0x7, v3;
	v4 =	vand.u32 $0xFFFFFFF0, v49  }
0xa9: {  	v3 =	vor.u32 v3, v4  }
0xaa: {  	v4 =	vperm.xlane v3, v0;
	_ =	sdelay $0x1  }
0xab: {  	v3 =	vperm.xlane v3, v2;
	v4 =	vadd.s32 v1, v4;
	_ =	sdelay $0x1  }
0xac: {  	v3 =	vadd.s32 v1, v3;
	_ =	sdelay $0x2  }
0xad: {  	[tilespmem:s22], [sflag:$0x1] =	stream.indirect_vreg.gather [hbm4b:s3+s2], $0x80, v4, vm0, $0xb8;
	[tilespmem:$0x7080] =	vst v63  }
0xae: {  	_ = 	snop  }
0xaf: {  	[tilespmem:s23], [sflag:$0x1] =	stream.indirect_vreg.gather [hbm4b:s3+s2], $0x80, v3, vm0, $0xb8;
	[tilespmem:$0x7080] =	vst v63  }
0xb0: {  	_ =	swait.ge [sflag:s24], $0x7000  }
0xb1: {  	s1 =	rddreg [dreg:$0x5];
	[sflag:s24] =	ssyncset.done $0x0  }
0xb2: {  	[sflag:s24] =	ssyncadd.s32 $0xFFFF9000;
	s1 =	sadd.s32 s31, s1  }
0xb3: {  	[hbm4b:s1+s2] =	stream.linear.scatter [tilespmem:s10], [sflag:$0x2], $0x7000, $0x38;
	[tilespmem:$0x7080] =	vst v63  }
0xb4: {  	_ =	swait.ge [sflag:s9], $0x7000  }
0xb5: {  	[sflag:s9] =	ssyncset.done $0x0  }
0xb6: {  	[sflag:s9] =	ssyncadd.s32 $0xFFFF9000  }
0xb7: {  	[tilespmem:s2], [sflag:$0x2] =	stream.linear.gather [hbm4b:s29+s2], $0x70, $0x38;
	[tilespmem:$0x7080] =	vst v63  }
0xb8: {  	_ =	swait.ge [sflag:s9], $0x70  }
0xb9: {  	[sflag:s9] =	ssyncset.done $0x0  }
0xba: {  	[sflag:s9] =	ssyncadd.s32 $0xFFFFFF90  }
0xbb: {  	v3 =	vld [tilespmem:$0x0];
	_ =	sdelay $0x4  }
0xbc: {  	v50 =	vshll.u32 v3, $0x1  }
0xbd: {  	v3 =	vand.u32 $0x7, v3;
	v4 =	vand.u32 $0xFFFFFFF0, v50  }
0xbe: {  	v3 =	vor.u32 v3, v4  }
0xbf: {  	v4 =	vperm.xlane v3, v0;
	_ =	sdelay $0x1  }
0xc0: {  	v3 =	vperm.xlane v3, v2;
	v4 =	vadd.s32 v1, v4;
	_ =	sdelay $0x1  }
0xc1: {  	v3 =	vadd.s32 v1, v3;
	_ =	sdelay $0x2  }
0xc2: {  	[tilespmem:s10], [sflag:$0x1] =	stream.indirect_vreg.gather [hbm4b:s3+s2], $0x80, v4, vm0, $0xb8;
	[tilespmem:$0x7080] =	vst v63  }
0xc3: {  	_ = 	snop  }
0xc4: {  	[tilespmem:s11], [sflag:$0x1] =	stream.indirect_vreg.gather [hbm4b:s3+s2], $0x80, v3, vm0, $0xb8;
	[tilespmem:$0x7080] =	vst v63  }
0xc5: {  	v3 =	vld [tilespmem:$0x10];
	_ =	sdelay $0x4  }
0xc6: {  	v51 =	vshll.u32 v3, $0x1  }
0xc7: {  	v3 =	vand.u32 $0x7, v3;
	v4 =	vand.u32 $0xFFFFFFF0, v51  }
0xc8: {  	v3 =	vor.u32 v3, v4  }
0xc9: {  	v4 =	vperm.xlane v3, v0;
	_ =	sdelay $0x1  }
0xca: {  	v3 =	vperm.xlane v3, v2;
	v4 =	vadd.s32 v1, v4;
	_ =	sdelay $0x1  }
0xcb: {  	v3 =	vadd.s32 v1, v3;
	_ =	sdelay $0x2  }
0xcc: {  	[tilespmem:s12], [sflag:$0x1] =	stream.indirect_vreg.gather [hbm4b:s3+s2], $0x80, v4, vm0, $0xb8;
	[tilespmem:$0x7080] =	vst v63  }
0xcd: {  	_ = 	snop  }
0xce: {  	[tilespmem:s13], [sflag:$0x1] =	stream.indirect_vreg.gather [hbm4b:s3+s2], $0x80, v3, vm0, $0xb8;
	[tilespmem:$0x7080] =	vst v63  }
0xcf: {  	v3 =	vld [tilespmem:$0x20];
	_ =	sdelay $0x4  }
0xd0: {  	v52 =	vshll.u32 v3, $0x1  }
0xd1: {  	v3 =	vand.u32 $0x7, v3;
	v4 =	vand.u32 $0xFFFFFFF0, v52  }
0xd2: {  	v3 =	vor.u32 v3, v4  }
0xd3: {  	v4 =	vperm.xlane v3, v0;
	_ =	sdelay $0x1  }
0xd4: {  	v3 =	vperm.xlane v3, v2;
	v4 =	vadd.s32 v1, v4;
	_ =	sdelay $0x1  }
0xd5: {  	v3 =	vadd.s32 v1, v3;
	_ =	sdelay $0x2  }
0xd6: {  	[tilespmem:s14], [sflag:$0x1] =	stream.indirect_vreg.gather [hbm4b:s3+s2], $0x80, v4, vm0, $0xb8;
	[tilespmem:$0x7080] =	vst v63  }
0xd7: {  	_ = 	snop  }
0xd8: {  	[tilespmem:s15], [sflag:$0x1] =	stream.indirect_vreg.gather [hbm4b:s3+s2], $0x80, v3, vm0, $0xb8;
	[tilespmem:$0x7080] =	vst v63  }
0xd9: {  	v3 =	vld [tilespmem:$0x30];
	_ =	sdelay $0x4  }
0xda: {  	v53 =	vshll.u32 v3, $0x1  }
0xdb: {  	v3 =	vand.u32 $0x7, v3;
	v4 =	vand.u32 $0xFFFFFFF0, v53  }
0xdc: {  	v3 =	vor.u32 v3, v4  }
0xdd: {  	v4 =	vperm.xlane v3, v0;
	_ =	sdelay $0x1  }
0xde: {  	v3 =	vperm.xlane v3, v2;
	v4 =	vadd.s32 v1, v4;
	_ =	sdelay $0x1  }
0xdf: {  	v3 =	vadd.s32 v1, v3;
	_ =	sdelay $0x2  }
0xe0: {  	[tilespmem:s16], [sflag:$0x1] =	stream.indirect_vreg.gather [hbm4b:s3+s2], $0x80, v4, vm0, $0xb8;
	[tilespmem:$0x7080] =	vst v63  }
0xe1: {  	_ = 	snop  }
0xe2: {  	[tilespmem:s17], [sflag:$0x1] =	stream.indirect_vreg.gather [hbm4b:s3+s2], $0x80, v3, vm0, $0xb8;
	[tilespmem:$0x7080] =	vst v63  }
0xe3: {  	v3 =	vld [tilespmem:$0x40];
	_ =	sdelay $0x4  }
0xe4: {  	v54 =	vshll.u32 v3, $0x1  }
0xe5: {  	v3 =	vand.u32 $0x7, v3;
	v4 =	vand.u32 $0xFFFFFFF0, v54  }
0xe6: {  	v3 =	vor.u32 v3, v4  }
0xe7: {  	v4 =	vperm.xlane v3, v0;
	_ =	sdelay $0x1  }
0xe8: {  	v3 =	vperm.xlane v3, v2;
	v4 =	vadd.s32 v1, v4;
	_ =	sdelay $0x1  }
0xe9: {  	v3 =	vadd.s32 v1, v3;
	_ =	sdelay $0x2  }
0xea: {  	[tilespmem:s18], [sflag:$0x1] =	stream.indirect_vreg.gather [hbm4b:s3+s2], $0x80, v4, vm0, $0xb8;
	[tilespmem:$0x7080] =	vst v63  }
0xeb: {  	_ = 	snop  }
0xec: {  	[tilespmem:s19], [sflag:$0x1] =	stream.indirect_vreg.gather [hbm4b:s3+s2], $0x80, v3, vm0, $0xb8;
	[tilespmem:$0x7080] =	vst v63  }
0xed: {  	v3 =	vld [tilespmem:$0x50];
	_ =	sdelay $0x4  }
0xee: {  	v55 =	vshll.u32 v3, $0x1  }
0xef: {  	v3 =	vand.u32 $0x7, v3;
	v4 =	vand.u32 $0xFFFFFFF0, v55  }
0xf0: {  	v3 =	vor.u32 v3, v4  }
0xf1: {  	v4 =	vperm.xlane v3, v0;
	_ =	sdelay $0x1  }
0xf2: {  	v3 =	vperm.xlane v3, v2;
	v4 =	vadd.s32 v1, v4;
	_ =	sdelay $0x1  }
0xf3: {  	v3 =	vadd.s32 v1, v3;
	_ =	sdelay $0x2  }
0xf4: {  	[tilespmem:s20], [sflag:$0x1] =	stream.indirect_vreg.gather [hbm4b:s3+s2], $0x80, v4, vm0, $0xb8;
	[tilespmem:$0x7080] =	vst v63  }
0xf5: {  	_ = 	snop  }
0xf6: {  	[tilespmem:s21], [sflag:$0x1] =	stream.indirect_vreg.gather [hbm4b:s3+s2], $0x80, v3, vm0, $0xb8;
	[tilespmem:$0x7080] =	vst v63  }
0xf7: {  	v3 =	vld [tilespmem:$0x60];
	_ =	sdelay $0x4  }
0xf8: {  	v56 =	vshll.u32 v3, $0x1  }
0xf9: {  	v3 =	vand.u32 $0x7, v3;
	v4 =	vand.u32 $0xFFFFFFF0, v56  }
0xfa: {  	v3 =	vor.u32 v3, v4  }
0xfb: {  	v4 =	vperm.xlane v3, v0;
	_ =	sdelay $0x1  }
0xfc: {  	v3 =	vperm.xlane v3, v2;
	v4 =	vadd.s32 v1, v4;
	_ =	sdelay $0x1  }
0xfd: {  	v3 =	vadd.s32 v1, v3;
	_ =	sdelay $0x2  }
0xfe: {  	[tilespmem:s22], [sflag:$0x1] =	stream.indirect_vreg.gather [hbm4b:s3+s2], $0x80, v4, vm0, $0xb8;
	[tilespmem:$0x7080] =	vst v63  }
0xff: {  	_ = 	snop  }
0x100: {  	[tilespmem:s23], [sflag:$0x1] =	stream.indirect_vreg.gather [hbm4b:s3+s2], $0x80, v3, vm0, $0xb8;
	[tilespmem:$0x7080] =	vst v63  }
0x101: {  	_ =	swait.ge [sflag:s24], $0x7000  }
0x102: {  	s1 =	rddreg [dreg:$0x6];
	[sflag:s24] =	ssyncset.done $0x0  }
0x103: {  	[sflag:s24] =	ssyncadd.s32 $0xFFFF9000;
	s1 =	sadd.s32 s31, s1  }
0x104: {  	[hbm4b:s1+s2] =	stream.linear.scatter [tilespmem:s10], [sflag:$0x2], $0x7000, $0x38;
	[tilespmem:$0x7080] =	vst v63  }
0x105: {  	_ =	swait.ge [sflag:s9], $0x7000  }
0x106: {  	[sflag:s9] =	ssyncset.done $0x0  }
0x107: {  	[sflag:s9] =	ssyncadd.s32 $0xFFFF9000  }
0x108: {  	[tilespmem:s2], [sflag:$0x2] =	stream.linear.gather [hbm4b:s30+s2], $0x70, $0x38;
	[tilespmem:$0x7080] =	vst v63  }
0x109: {  	_ =	swait.ge [sflag:s9], $0x70  }
0x10a: {  	[sflag:s9] =	ssyncset.done $0x0  }
0x10b: {  	[sflag:s9] =	ssyncadd.s32 $0xFFFFFF90  }
0x10c: {  	v3 =	vld [tilespmem:$0x0];
	_ =	sdelay $0x4  }
0x10d: {  	v57 =	vshll.u32 v3, $0x1  }
0x10e: {  	v3 =	vand.u32 $0x7, v3;
	v4 =	vand.u32 $0xFFFFFFF0, v57  }
0x10f: {  	v3 =	vor.u32 v3, v4  }
0x110: {  	v4 =	vperm.xlane v3, v0;
	_ =	sdelay $0x1  }
0x111: {  	v3 =	vperm.xlane v3, v2;
	v4 =	vadd.s32 v1, v4;
	_ =	sdelay $0x1  }
0x112: {  	v3 =	vadd.s32 v1, v3;
	_ =	sdelay $0x2  }
0x113: {  	[tilespmem:s10], [sflag:$0x1] =	stream.indirect_vreg.gather [hbm4b:s3+s2], $0x80, v4, vm0, $0xb8;
	[tilespmem:$0x7080] =	vst v63  }
0x114: {  	_ = 	snop  }
0x115: {  	[tilespmem:s11], [sflag:$0x1] =	stream.indirect_vreg.gather [hbm4b:s3+s2], $0x80, v3, vm0, $0xb8;
	[tilespmem:$0x7080] =	vst v63  }
0x116: {  	v3 =	vld [tilespmem:$0x10];
	_ =	sdelay $0x4  }
0x117: {  	v58 =	vshll.u32 v3, $0x1  }
0x118: {  	v3 =	vand.u32 $0x7, v3;
	v4 =	vand.u32 $0xFFFFFFF0, v58  }
0x119: {  	v3 =	vor.u32 v3, v4  }
0x11a: {  	v4 =	vperm.xlane v3, v0;
	_ =	sdelay $0x1  }
0x11b: {  	v3 =	vperm.xlane v3, v2;
	v4 =	vadd.s32 v1, v4;
	_ =	sdelay $0x1  }
0x11c: {  	v3 =	vadd.s32 v1, v3;
	_ =	sdelay $0x2  }
0x11d: {  	[tilespmem:s12], [sflag:$0x1] =	stream.indirect_vreg.gather [hbm4b:s3+s2], $0x80, v4, vm0, $0xb8;
	[tilespmem:$0x7080] =	vst v63  }
0x11e: {  	_ = 	snop  }
0x11f: {  	[tilespmem:s13], [sflag:$0x1] =	stream.indirect_vreg.gather [hbm4b:s3+s2], $0x80, v3, vm0, $0xb8;
	[tilespmem:$0x7080] =	vst v63  }
0x120: {  	v3 =	vld [tilespmem:$0x20];
	_ =	sdelay $0x4  }
0x121: {  	v59 =	vshll.u32 v3, $0x1  }
0x122: {  	v3 =	vand.u32 $0x7, v3;
	v4 =	vand.u32 $0xFFFFFFF0, v59  }
0x123: {  	v3 =	vor.u32 v3, v4  }
0x124: {  	v4 =	vperm.xlane v3, v0;
	_ =	sdelay $0x1  }
0x125: {  	v3 =	vperm.xlane v3, v2;
	v4 =	vadd.s32 v1, v4;
	_ =	sdelay $0x1  }
0x126: {  	v3 =	vadd.s32 v1, v3;
	_ =	sdelay $0x2  }
0x127: {  	[tilespmem:s14], [sflag:$0x1] =	stream.indirect_vreg.gather [hbm4b:s3+s2], $0x80, v4, vm0, $0xb8;
	[tilespmem:$0x7080] =	vst v63  }
0x128: {  	_ = 	snop  }
0x129: {  	[tilespmem:s15], [sflag:$0x1] =	stream.indirect_vreg.gather [hbm4b:s3+s2], $0x80, v3, vm0, $0xb8;
	[tilespmem:$0x7080] =	vst v63  }
0x12a: {  	v3 =	vld [tilespmem:$0x30];
	_ =	sdelay $0x4  }
0x12b: {  	v60 =	vshll.u32 v3, $0x1  }
0x12c: {  	v3 =	vand.u32 $0x7, v3;
	v4 =	vand.u32 $0xFFFFFFF0, v60  }
0x12d: {  	v3 =	vor.u32 v3, v4  }
0x12e: {  	v4 =	vperm.xlane v3, v0;
	_ =	sdelay $0x1  }
0x12f: {  	v3 =	vperm.xlane v3, v2;
	v4 =	vadd.s32 v1, v4;
	_ =	sdelay $0x1  }
0x130: {  	v3 =	vadd.s32 v1, v3;
	_ =	sdelay $0x2  }
0x131: {  	[tilespmem:s16], [sflag:$0x1] =	stream.indirect_vreg.gather [hbm4b:s3+s2], $0x80, v4, vm0, $0xb8;
	[tilespmem:$0x7080] =	vst v63  }
0x132: {  	_ = 	snop  }
0x133: {  	[tilespmem:s17], [sflag:$0x1] =	stream.indirect_vreg.gather [hbm4b:s3+s2], $0x80, v3, vm0, $0xb8;
	[tilespmem:$0x7080] =	vst v63  }
0x134: {  	v3 =	vld [tilespmem:$0x40];
	_ =	sdelay $0x4  }
0x135: {  	v61 =	vshll.u32 v3, $0x1  }
0x136: {  	v3 =	vand.u32 $0x7, v3;
	v4 =	vand.u32 $0xFFFFFFF0, v61  }
0x137: {  	v3 =	vor.u32 v3, v4  }
0x138: {  	v4 =	vperm.xlane v3, v0;
	_ =	sdelay $0x1  }
0x139: {  	v3 =	vperm.xlane v3, v2;
	v4 =	vadd.s32 v1, v4;
	_ =	sdelay $0x1  }
0x13a: {  	v3 =	vadd.s32 v1, v3;
	_ =	sdelay $0x2  }
0x13b: {  	[tilespmem:s18], [sflag:$0x1] =	stream.indirect_vreg.gather [hbm4b:s3+s2], $0x80, v4, vm0, $0xb8;
	[tilespmem:$0x7080] =	vst v63  }
0x13c: {  	_ = 	snop  }
0x13d: {  	[tilespmem:s19], [sflag:$0x1] =	stream.indirect_vreg.gather [hbm4b:s3+s2], $0x80, v3, vm0, $0xb8;
	[tilespmem:$0x7080] =	vst v63  }
0x13e: {  	v3 =	vld [tilespmem:$0x50];
	_ =	sdelay $0x4  }
0x13f: {  	v62 =	vshll.u32 v3, $0x1  }
0x140: {  	v3 =	vand.u32 $0x7, v3;
	v4 =	vand.u32 $0xFFFFFFF0, v62  }
0x141: {  	v3 =	vor.u32 v3, v4  }
0x142: {  	v4 =	vperm.xlane v3, v0;
	_ =	sdelay $0x1  }
0x143: {  	v3 =	vperm.xlane v3, v2;
	v4 =	vadd.s32 v1, v4;
	_ =	sdelay $0x1  }
0x144: {  	v3 =	vadd.s32 v1, v3;
	_ =	sdelay $0x2  }
0x145: {  	[tilespmem:s20], [sflag:$0x1] =	stream.indirect_vreg.gather [hbm4b:s3+s2], $0x80, v4, vm0, $0xb8;
	[tilespmem:$0x7080] =	vst v63  }
0x146: {  	_ = 	snop  }
0x147: {  	[tilespmem:s21], [sflag:$0x1] =	stream.indirect_vreg.gather [hbm4b:s3+s2], $0x80, v3, vm0, $0xb8;
	[tilespmem:$0x7080] =	vst v63  }
0x148: {  	v3 =	vld [tilespmem:$0x60];
	_ =	sdelay $0x4  }
0x149: {  	v63 =	vshll.u32 v3, $0x1  }
0x14a: {  	v3 =	vand.u32 $0x7, v3;
	v4 =	vand.u32 $0xFFFFFFF0, v63  }
0x14b: {  	v3 =	vor.u32 v3, v4  }
0x14c: {  	v4 =	vperm.xlane v3, v0;
	_ =	sdelay $0x1  }
0x14d: {  	v3 =	vperm.xlane v3, v2;
	v4 =	vadd.s32 v1, v4;
	_ =	sdelay $0x1  }
0x14e: {  	v3 =	vadd.s32 v1, v3;
	_ =	sdelay $0x2  }
0x14f: {  	[tilespmem:s22], [sflag:$0x1] =	stream.indirect_vreg.gather [hbm4b:s3+s2], $0x80, v4, vm0, $0xb8;
	[tilespmem:$0x7080] =	vst v63  }
0x150: {  	_ = 	snop  }
0x151: {  	[tilespmem:s23], [sflag:$0x1] =	stream.indirect_vreg.gather [hbm4b:s3+s2], $0x80, v3, vm0, $0xb8;
	[tilespmem:$0x7080] =	vst v63  }
0x152: {  	_ =	swait.ge [sflag:s24], $0x7000  }
0x153: {  	p0 =	sne.s32 s31, $0x17A00;
	s1 =	rddreg [dreg:$0x7];
	[sflag:s24] =	ssyncset.done $0x0  }
.Ltmp0:
0x154: {  	[sflag:s24] =	ssyncadd.s32 $0xFFFF9000;
	s1 =	sadd.s32 s31, s1;
	(pc) =	sbr.rel @p0 .LBB2_2-.Ltmp0, $4  }
0x155: {  	[hbm4b:s1+s2] =	stream.linear.scatter [tilespmem:s10], [sflag:$0x2], $0x7000, $0x38;
	[tilespmem:$0x7080] =	vst v63  }
0x156: {  	s26 =	sadd.s32 $0xE, s26;
	_ =	swait.ge [sflag:s9], $0x7000  }
0x157: {  	s28 =	sadd.s32 $0xE, s28;
	s29 =	sadd.s32 $0xE, s29;
	[sflag:s9] =	ssyncset.done $0x0  }
0x158: {  	s30 =	sadd.s32 $0xE, s30;
	s31 =	sadd.s32 $0xE00, s31;
	[sflag:s9] =	ssyncadd.s32 $0xFFFF9000  }
0x159: {  	s25 =	sadd.s32 $0x1, s25  }
0x15a: {  	p0 =	sne.s32 s25, s4  }
.Ltmp1:
0x15b: {  	_ = 	snop;
	(pc) =	sbr.rel @p0 .LBB2_1-.Ltmp1, $1  }
0x15c: {  	_ =	sdelay $0x3  }
0x15d: {  	_ =	sfence.sel $0x180000  }
0x15e: {  	[bflag:$0x0] =	sbarrier.arrive $0xFFFF  }
0x15f: {  	_ =	strace $0x90000047  }
0x160: {  	[bflag:$0x2] =	sbarrier.arrive $0xFFFF  }
0x161: {  	p0 =	sne.s32 s0, $0x0;
	s0 =	rddreg [dreg:$0x3]  }
0x162: {  	s0 =	sadd.s32 @!p0 $0x100000, s0  }
0x163: {  	[sflag:s0] =	ssyncadd.tile.s32 @!p0 $0x1;
	_ =	shalt  }
.Lfunc_end2:
_tile_overlayer_lowered:
.L_overlay_start_2:
0x164: {  	(tag) =	ssettag $0x2  }
0x165: {  	s0 =	rddreg [dreg:$0x0];
	s2 =	stileid.u32  }
0x166: {  	s1 =	rddreg [dreg:$0x1];
	p0 =	sne.s32 s2, $0x0  }
0x167: {  	s3 =	rddreg [dreg:$0x2];
	[bflag:$0x3] =	sbarrier.arrive $0xFFFF;
	s2 =	simm.s32 @!p0 $0x1C02  }
0x168: {  	[timem:s3], [sflag:s2] =	dma.local @!p0 [hbm:s0], s1  }
0x169: {  	s0 =	simm.s32 @!p0 $0x2  }
0x16a: {  	_ =	swait.ge @!p0 [sflag:s0], s1  }
0x16b: {  	s1 =	ssub.s32 @!p0 $0x0, s1;
	[sflag:s0] =	ssyncset.done @!p0 $0x0  }
0x16c: {  	[sflag:s0] =	ssyncadd.s32 @!p0 s1  }
0x16d: {  	[bflag:$0x3] =	sbarrier.arrive $0xFFFF  }
0x16e: {  	_ =	shalt  }

</sc_bundles>
